<compile_context>
chip_gen: v7x
topology: tpu7x:2x2x1
jax: 0.10.2.dev20260603
libtpu: 0.0.44.dev20260713+nightly
codegen_flags: <defaults>
</compile_context>

<pallas_src>
import functools

import numpy as np
import jax
import jax.numpy as jnp
from jax import lax
from jax.experimental import pallas as pl
from jax.experimental.pallas import tpu as pltpu
from jax.experimental.pallas import tpu_sc as plsc

DIM = 96
PE = 96
NH = 8
HD = DIM // NH
SCALE = HD ** -0.5
NB, CC, HH, WW = 2, 96, 224, 224
HW = HH * WW
NHW = NB * HW
NV = 4
RB = 8
PROWS = 8
PBLK = PROWS * WW
GCH = 128


def _np_pb():
    npf = PE // 2
    sc = 2 * np.pi
    ones = np.ones((1, 2, 2), np.float64)
    y_embed = np.cumsum(ones, axis=1)
    x_embed = np.cumsum(ones, axis=2)
    eps = 1e-6
    y_embed = y_embed / (y_embed[:, -1:, :] + eps) * sc
    x_embed = x_embed / (x_embed[:, :, -1:] + eps) * sc
    dim_t = 10000.0 ** (2 * (np.arange(npf) // 2) / npf)
    pos_x = x_embed[..., None] / dim_t
    pos_y = y_embed[..., None] / dim_t
    pos_x = np.stack((np.sin(pos_x[..., 0::2]), np.cos(pos_x[..., 1::2])),
                     axis=4).reshape(1, 2, 2, npf)
    pos_y = np.stack((np.sin(pos_y[..., 0::2]), np.cos(pos_y[..., 1::2])),
                     axis=4).reshape(1, 2, 2, npf)
    pos = np.concatenate((pos_y, pos_x), axis=3)
    return pos.reshape(NV, PE).astype(np.float32)


_PB_CONST = _np_pb()
_POSY0 = np.zeros((PE // 2,), np.float32)
_POSY0[1::2] = 1.0
_HMAT = np.zeros((DIM, NH), np.float32)
for _d in range(DIM):
    _HMAT[_d, _d // HD] = 1.0
_PDEG = 13


def _np_pe_poly():
    invd = (2.0 * np.pi / (2.0 + 1e-6)) / (
        10000.0 ** (np.arange(PE // 4) * 2.0 / (PE // 2)))
    g = np.linspace(0.0, 1.0, 4096)
    v = g[:, None] ** np.arange(_PDEG)[None, :]
    a = g[:, None] * invd[None, :]
    peg = np.empty((g.size, PE // 2))
    peg[:, 0::2] = np.sin(a)
    peg[:, 1::2] = np.cos(a)
    m, _, _, _ = np.linalg.lstsq(v, peg, rcond=None)
    return m.astype(np.float32)


_PEPOLY = _np_pe_poly()


def _p1_body(ym, yt, yb_, xm, xt_in, xb_, wy, wx, cb, idx_ref, frac_ref,
             y128_ref, xt_ref):
    ni = pl.program_id(0)
    hi = pl.program_id(1)
    nhb = HH // RB
    tmask = (hi > 0).astype(jnp.float32)
    bmask = (hi < nhb - 1).astype(jnp.float32)
    ty = [jnp.transpose(yt[0, :, RB - 1, :]) * tmask]
    ty += [jnp.transpose(ym[0, :, r, :]) for r in range(RB)]
    ty += [jnp.transpose(yb_[0, :, 0, :]) * bmask]
    tx = [jnp.transpose(xt_in[0, :, RB - 1, :]) * tmask]
    tx += [jnp.transpose(xm[0, :, r, :]) for r in range(RB)]
    tx += [jnp.transpose(xb_[0, :, 0, :]) * bmask]
    yblk = jnp.stack(ty[1:1 + RB], axis=0)
    y128_ref[0] = jnp.pad(yblk, ((0, 0), (0, 0), (0, 128 - CC)))
    xt_ref[0] = jnp.stack(tx[1:1 + RB], axis=0)
    bf = jnp.bfloat16
    f32 = jnp.float32
    zc = jnp.zeros((RB + 2, 1, CC), jnp.float32)
    rows_y = jnp.concatenate(
        [zc, jnp.stack(ty, axis=0), zc], axis=1).astype(bf).astype(f32)
    rows_x = jnp.concatenate(
        [zc, jnp.stack(tx, axis=0), zc], axis=1).astype(bf).astype(f32)
    wyb = wy[...].astype(bf).astype(f32)
    wxb = wx[...].astype(bf).astype(f32)
    acc = jnp.zeros((RB, WW, CC), jnp.float32)
    for di in range(3):
        for dj in range(3):
            t = di * 3 + dj
            acc = acc + rows_y[di:di + RB, dj:dj + WW, :] * wyb[t]
            acc = acc + rows_x[di:di + RB, dj:dj + WW, :] * wxb[t]
    off = jnp.sum(acc, axis=-1) + cb[...]
    offs = off * 2.0 / WW
    jf = lax.broadcasted_iota(jnp.int32, (RB, WW), 1).astype(jnp.float32)
    gcol = jf + offs
    c0 = jnp.floor(gcol)
    frac_ref[0] = gcol - c0
    ii = hi * RB + lax.broadcasted_iota(jnp.int32, (RB, WW), 0)
    base = ni * HW
    for j in range(NV):
        dy, dx = j // 2, j % 2
        rr = jnp.minimum(ii + dy, HH - 1)
        ccj = jnp.clip(c0 + dx, 0.0, float(WW - 1)).astype(jnp.int32)
        idx_ref[j, 0] = base + rr * WW + ccj


def _p1(y, x, wy, wx, cb):
    nhb = HH // RB
    in_specs = []
    for _ in range(2):
        in_specs.append(pl.BlockSpec((1, CC, RB, WW),
                                     lambda ni, hi: (ni, 0, hi, 0)))
        in_specs.append(pl.BlockSpec(
            (1, CC, RB, WW),
            lambda ni, hi: (ni, 0, jnp.maximum(hi - 1, 0), 0)))
        in_specs.append(pl.BlockSpec(
            (1, CC, RB, WW),
            lambda ni, hi: (ni, 0, jnp.minimum(hi + 1, nhb - 1), 0)))
    in_specs += [
        pl.BlockSpec((9, CC), lambda ni, hi: (0, 0)),
        pl.BlockSpec((9, CC), lambda ni, hi: (0, 0)),
        pl.BlockSpec((1, WW), lambda ni, hi: (0, 0)),
    ]
    return pl.pallas_call(
        _p1_body,
        grid=(NB, nhb),
        in_specs=in_specs,
        out_specs=[
            pl.BlockSpec((NV, 1, RB, WW), lambda ni, hi: (0, ni, hi, 0)),
            pl.BlockSpec((1, RB, WW), lambda ni, hi: (ni, hi, 0)),
            pl.BlockSpec((1, RB, WW, 128), lambda ni, hi: (ni, hi, 0, 0)),
            pl.BlockSpec((1, RB, WW, CC), lambda ni, hi: (ni, hi, 0, 0)),
        ],
        out_shape=[
            jax.ShapeDtypeStruct((NV, NB, HH, WW), jnp.int32),
            jax.ShapeDtypeStruct((NB, HH, WW), jnp.float32),
            jax.ShapeDtypeStruct((NB, HH, WW, 128), jnp.float32),
            jax.ShapeDtypeStruct((NB, HH, WW, CC), jnp.float32),
        ],
    )(y, y, y, x, x, x, wy, wx, cb)


def _p2_gather(y_t, idx_flat):
    info = plsc.get_sparse_core_info()
    nw = info.num_cores * info.num_subcores
    total = NV * NHW
    per_w = total // nw
    n_ch = per_w // GCH
    mesh = plsc.VectorSubcoreMesh(core_axis_name="c", subcore_axis_name="s")

    @functools.partial(
        pl.kernel,
        out_type=jax.ShapeDtypeStruct((total, 128), jnp.float32),
        mesh=mesh,
        scratch_types=[
            pltpu.VMEM((GCH,), jnp.int32),
            pltpu.VMEM((GCH,), jnp.int32),
            pltpu.VMEM((GCH, 128), jnp.float32),
            pltpu.VMEM((GCH, 128), jnp.float32),
            pltpu.SemaphoreType.DMA,
            pltpu.SemaphoreType.DMA,
        ],
    )
    def gath(table_hbm, idx_hbm, out_hbm, i0, i1, r0, r1, s0, s1):
        wid = lax.axis_index("s") * info.num_cores + lax.axis_index("c")
        w0 = wid * per_w

        def wait_g(rv, sv):
            pltpu.make_async_copy(table_hbm.at[pl.ds(0, GCH)], rv, sv).wait()

        pltpu.sync_copy(idx_hbm.at[pl.ds(w0, GCH)], i0)
        pltpu.async_copy(table_hbm.at[i0], r0, s0)

        def body(t2, carry):
            p = w0 + (2 * t2) * GCH
            pltpu.sync_copy(idx_hbm.at[pl.ds(p + GCH, GCH)], i1)
            pltpu.async_copy(table_hbm.at[i1], r1, s1)
            wait_g(r0, s0)
            pltpu.sync_copy(r0, out_hbm.at[pl.ds(p, GCH)])
            pltpu.sync_copy(idx_hbm.at[pl.ds(p + 2 * GCH, GCH)], i0)
            pltpu.async_copy(table_hbm.at[i0], r0, s0)
            wait_g(r1, s1)
            pltpu.sync_copy(r1, out_hbm.at[pl.ds(p + GCH, GCH)])
            return carry

        lax.fori_loop(0, n_ch // 2 - 1, body, 0)
        last = w0 + (n_ch - 1) * GCH
        pltpu.sync_copy(idx_hbm.at[pl.ds(last, GCH)], i1)
        pltpu.async_copy(table_hbm.at[i1], r1, s1)
        wait_g(r0, s0)
        pltpu.sync_copy(r0, out_hbm.at[pl.ds(last - GCH, GCH)])
        wait_g(r1, s1)
        pltpu.sync_copy(r1, out_hbm.at[pl.ds(last, GCH)])

    return gath(y_t, idx_flat)


def _p3_body(xt, frac, wrp, Wq, Wk, Wv, Cp, qc, kb, vb, Hm, Ht, out_ref):
    f32 = jnp.float32
    q = jnp.dot(xt[...], Wq[...], preferred_element_type=f32)
    fr = frac[0]
    rows = [jnp.ones_like(fr), fr]
    for _ in range(_PDEG - 2):
        rows.append(rows[-1] * fr)
    fp = jnp.concatenate(rows, axis=0)
    q = q + lax.dot_general(fp, Cp[...], (((0,), (0,)), ((), ())),
                            preferred_element_type=f32)
    q = (q + qc[...]) * SCALE
    wall = wrp[...].reshape(NV * PBLK, 128)
    kk = jnp.dot(wall, Wk[...], preferred_element_type=f32)
    vv = jnp.dot(wall, Wv[...], preferred_element_type=f32)
    kk3 = kk.reshape(NV, PBLK, DIM) + kb[...][:, None, :]
    qk = kk3 * q[None, :, :]
    l3 = jnp.dot(qk.reshape(NV * PBLK, DIM), Hm[...],
                 preferred_element_type=f32).reshape(NV, PBLK, NH)
    m = jnp.maximum(jnp.maximum(l3[0], l3[1]), jnp.maximum(l3[2], l3[3]))
    es = jnp.exp(l3 - m[None, :, :])
    den = es[0] + es[1] + es[2] + es[3]
    aw = es / den[None, :, :]
    af = jnp.dot(aw.reshape(NV * PBLK, NH), Ht[...],
                 preferred_element_type=f32).reshape(NV, PBLK, DIM)
    vv3 = vv.reshape(NV, PBLK, DIM) + vb[...][:, None, :]
    av = af * vv3
    o = av[0] + av[1] + av[2] + av[3]
    for r in range(PROWS):
        out_ref[0, :, r, :] = jnp.transpose(o[r * WW:(r + 1) * WW])


def _p3(x_t, frac3, wrp3, Wq, Wk, Wv, Cp, qc, kb, vb, Hm, Ht):
    nhb = HH // PROWS
    full = lambda shape: pl.BlockSpec(shape,
                                      lambda ni, hb: tuple(0 for _ in shape))
    return pl.pallas_call(
        _p3_body,
        grid=(NB, nhb),
        in_specs=[
            pl.BlockSpec((PBLK, CC), lambda ni, hb: (ni * nhb + hb, 0)),
            pl.BlockSpec((1, 1, PBLK), lambda ni, hb: (ni * nhb + hb, 0, 0)),
            pl.BlockSpec((NV, PBLK, 128),
                         lambda ni, hb: (0, ni * nhb + hb, 0)),
            full((PE, DIM)), full((128, DIM)), full((128, DIM)),
            full((_PDEG, DIM)),
            full((1, DIM)), full((NV, DIM)), full((NV, DIM)),
            full((DIM, NH)), full((NH, DIM)),
        ],
        out_specs=pl.BlockSpec((1, DIM, PROWS, WW),
                               lambda ni, hb: (ni, 0, hb, 0)),
        out_shape=jax.ShapeDtypeStruct((NB, DIM, HH, WW), jnp.float32),
    )(x_t, frac3, wrp3, Wq, Wk, Wv, Cp, qc, kb, vb, Hm, Ht)


def kernel(y, x, Wq, bq, Wk, bk, Wv, bv, conv_w, conv_b):
    wy = conv_w[0, :CC].transpose(1, 2, 0).reshape(9, CC)
    wx = conv_w[0, CC:].transpose(1, 2, 0).reshape(9, CC)
    cb = jnp.broadcast_to(conv_b.reshape(1, 1), (1, WW))

    idx, frac, y128, x_t = _p1(y, x, wy, wx, cb)

    wrp = _p2_gather(y128.reshape(NHW, 128), idx.reshape(NV * NHW))
    wrp3 = wrp.reshape(NV, NHW, 128)

    pbc = jnp.asarray(_PB_CONST)
    kb = pbc @ Wk + bk
    vb = pbc @ Wv + bv
    qc = (jnp.asarray(_POSY0) @ Wq[:PE // 2] + bq).reshape(1, DIM)
    Cp = jnp.asarray(_PEPOLY) @ Wq[PE // 2:]
    Wk128 = jnp.pad(Wk, ((0, 128 - PE), (0, 0)))
    Wv128 = jnp.pad(Wv, ((0, 128 - PE), (0, 0)))

    return _p3(x_t.reshape(NHW, CC), frac.reshape(NHW // PBLK, 1, PBLK),
               wrp3, Wq, Wk128, Wv128, Cp, qc, kb, vb,
               jnp.asarray(_HMAT), jnp.asarray(_HMAT.T))

# --- scband reference (transcript-rebuilt; emitter-appended) ---
"""Pipeline reference for scband-implicit-warp-module-38637525795037 (READ-ONLY COPY).

The authoritative reference and input builder live on the scoring server;
editing this copy changes nothing except your own understanding.
"""

import jax, jax.numpy as jnp
import numpy as np

DIM = 96
PE_DIM = 96
NUM_HEADS = 8
HEAD_DIM = DIM // NUM_HEADS
SCALE = HEAD_DIM ** -0.5
WS = (2, 2)
NV = WS[0] * WS[1]
TEMP = 10000.0


def _window_position_bias():
    npf = PE_DIM // 2
    sc = 2 * np.pi
    not_mask = np.ones((1, WS[0], WS[1]), np.float32)
    y_embed = np.cumsum(not_mask, axis=1)
    x_embed = np.cumsum(not_mask, axis=2)
    eps = 1e-6
    y_embed = y_embed / (y_embed[:, -1:, :] + eps) * sc
    x_embed = x_embed / (x_embed[:, :, -1:] + eps) * sc
    dim_t = TEMP ** (2 * (np.arange(npf, dtype=np.float32) // 2) / npf)
    pos_x = x_embed[..., None] / dim_t
    pos_y = y_embed[..., None] / dim_t
    pos_x = np.stack((np.sin(pos_x[..., 0::2]), np.cos(pos_x[..., 1::2])), axis=4).reshape(1, WS[0], WS[1], npf)
    pos_y = np.stack((np.sin(pos_y[..., 0::2]), np.cos(pos_y[..., 1::2])), axis=4).reshape(1, WS[0], WS[1], npf)
    pos = np.concatenate((pos_y, pos_x), axis=3)
    return jnp.asarray(pos.reshape(1, NV, PE_DIM), dtype=jnp.float32)


def _window_idx_offset():
    gh, gw = np.meshgrid(np.arange(WS[0], dtype=np.float32), np.arange(WS[1], dtype=np.float32), indexing='ij')
    return jnp.asarray(np.stack((gh, gw), 2).reshape(NV, 2), dtype=jnp.float32)


def _points_pe(points):
    npf = PE_DIM // 2
    sc = 2 * np.pi
    y_embed = points[:, :, 0] / (WS[0] + 1e-6) * sc
    x_embed = points[:, :, 1] / (WS[1] + 1e-6) * sc
    dim_t = TEMP ** (2 * (jnp.arange(npf) // 2).astype(jnp.float32) / npf)
    pos_x = x_embed[..., None] / dim_t
    pos_y = y_embed[..., None] / dim_t
    pos_x = jnp.stack((jnp.sin(pos_x[..., 0::2]), jnp.cos(pos_x[..., 1::2])), axis=-1).reshape(points.shape[0], points.shape[1], npf)
    pos_y = jnp.stack((jnp.sin(pos_y[..., 0::2]), jnp.cos(pos_y[..., 1::2])), axis=-1).reshape(points.shape[0], points.shape[1], npf)
    return jnp.concatenate((pos_y, pos_x), axis=-1)


def _forward(y, x, Wq, bq, Wk, bk, Wv, bv, conv_w, conv_b):
    n, c, h, w = x.shape
    inp = jnp.concatenate([y, x], axis=1)
    off = jax.lax.conv_general_dilated(inp, conv_w, (1, 1), 'SAME', dimension_numbers=('NCHW', 'OIHW', 'NCHW')) + conv_b.reshape(1, -1, 1, 1)
    offsets = jnp.transpose(off, (0, 2, 3, 1)) * 2.0 / w
    flow = jnp.concatenate([offsets, jnp.zeros_like(offsets)], axis=-1)
    gh, gw = jnp.meshgrid(jnp.arange(h, dtype=x.dtype), jnp.arange(w, dtype=x.dtype), indexing='ij')
    grid = jnp.broadcast_to(jnp.stack((gh, gw), 2)[None], (n, h, w, 2))
    grid_wrp = grid + flow[..., ::-1]
    grid_wrp_flr = jnp.floor(grid_wrp)
    grid_wrp_off = (grid_wrp - grid_wrp_flr).reshape(n, h * w, 2)
    grid_wrp_flr = grid_wrp_flr.reshape(n, h * w, 2)
    widx = _window_idx_offset()
    gw_all = (grid_wrp_flr[:, :, None, :] + widx).reshape(n, h * w * NV, 2)
    idx0 = jnp.clip(gw_all[:, :, 0], 0, h - 1).astype(jnp.int32)
    idx1 = jnp.clip(gw_all[:, :, 1], 0, w - 1).astype(jnp.int32)
    lin_idx = idx1 + w * idx0
    y_flat = y.reshape(n, c, h * w)
    wrp = jnp.take_along_axis(y_flat, jnp.broadcast_to(lin_idx[:, None, :], (n, c, h * w * NV)), axis=2)
    wrp = wrp.reshape(n, c, h * w, NV).transpose(0, 2, 3, 1).reshape(n, h * w * NV, c)
    pb = _window_position_bias()
    wrp_pe = jnp.tile(pb, (n, h * w, 1))
    wrp = jnp.tile(wrp, (1, 1, PE_DIM // c)) + wrp_pe
    xs = x.reshape(n, c, h * w).transpose(0, 2, 1)
    x_pe = _points_pe(grid_wrp_off)
    xs = jnp.tile(xs, (1, 1, PE_DIM // c)) + x_pe
    nhw = n * h * w
    kw = (wrp @ Wk + bk).reshape(nhw, NV, NUM_HEADS, HEAD_DIM).transpose(0, 2, 1, 3)
    vw = (wrp @ Wv + bv).reshape(nhw, NV, NUM_HEADS, HEAD_DIM).transpose(0, 2, 1, 3)
    qx = (xs @ Wq + bq).reshape(nhw, 1, NUM_HEADS, HEAD_DIM).transpose(0, 2, 1, 3)
    attn = (qx * SCALE) @ jnp.swapaxes(kw, -2, -1)
    attn = jax.nn.softmax(attn, axis=-1)
    out = (attn @ vw).transpose(0, 2, 1, 3).reshape(nhw, DIM)
    return out.reshape(n, h, w, DIM).transpose(0, 3, 1, 2)


def setup_inputs(seed: int = 0):
    key = jax.random.key(seed)
    ks = jax.random.split(key, 8)
    n, c, h, w = 2, 96, 224, 224
    y = jax.random.normal(ks[0], (n, c, h, w), jnp.float32)
    x = jax.random.normal(ks[1], (n, c, h, w), jnp.float32)
    Wq = jax.random.normal(ks[2], (PE_DIM, DIM), jnp.float32) * 0.02
    bq = jnp.zeros((DIM,), jnp.float32)
    Wk = jax.random.normal(ks[3], (PE_DIM, DIM), jnp.float32) * 0.02
    bk = jnp.zeros((DIM,), jnp.float32)
    Wv = jax.random.normal(ks[4], (PE_DIM, DIM), jnp.float32) * 0.02
    bv = jnp.zeros((DIM,), jnp.float32)
    conv_w = jax.random.normal(ks[5], (1, 2 * PE_DIM, 3, 3), jnp.float32) * 0.02
    conv_b = jnp.zeros((1,), jnp.float32)
    return {"y": y, "x": x, "Wq": Wq, "bq": bq, "Wk": Wk, "bk": bk, "Wv": Wv, "bv": bv, "conv_w": conv_w, "conv_b": conv_b}


def reference(y, x, Wq, bq, Wk, bk, Wv, bv, conv_w, conv_b):
    return _forward(y, x, Wq, bq, Wk, bk, Wv, bv, conv_w, conv_b)

if __name__ == "__main__":
    import jax
    _d = setup_inputs()
    print(jax.jit(kernel)(*tuple(_d.values())))

</pallas_src>

<mosaic_0001>
#map = affine_map<(d0, d1) -> (0, 0)>
#map1 = affine_map<(d0, d1) -> (0)>
module attributes {stable_mosaic.version = 14 : i64} {
  func.func @gath(%arg0: i32, %arg1: i32, %arg2: memref<100352x128xf32, #tpu.memory_space<hbm>>, %arg3: memref<401408xi32, #tpu.memory_space<hbm>>, %arg4: memref<401408x128xf32, #tpu.memory_space<hbm>>, %arg5: memref<128xi32, #tpu.memory_space<vmem>>, %arg6: memref<128xi32, #tpu.memory_space<vmem>>, %arg7: memref<128x128xf32, #tpu.memory_space<vmem>>, %arg8: memref<128x128xf32, #tpu.memory_space<vmem>>, %arg9: memref<!tpu.dma_semaphore, #tpu.memory_space<semaphore_mem>>, %arg10: memref<!tpu.dma_semaphore, #tpu.memory_space<semaphore_mem>>) attributes {dimension_semantics = [#tpu.dimension_semantics<core_parallel>, #tpu.dimension_semantics<subcore_parallel>], iteration_bounds = array<i64: 2, 16>, scalar_prefetch = 0 : i64, scratch_operands = 6 : i64, tpu.core_type = #tpu.core_type<sc_vector_subcore>, window_params = [{transform_indices = #map}, {transform_indices = #map1}, {transform_indices = #map}]} {
    %mul3A = arith.constant 2 : i32
    %mul3A_0 = arith.muli %arg1, %mul3A : i32
    %add3A = arith.addi %mul3A_0, %arg0 : i32
    %mul3A_1 = arith.constant 12544 : i32
    %mul3A_2 = arith.muli %add3A, %mul3A_1 : i32
    "tpu.region"() ({
      %run_scoped3A = tpu.sem_alloc : memref<!tpu.dma_semaphore, #tpu.memory_space<semaphore_mem>>
      %dma_start3A_27 = tpu.memref_slice %arg3[%mul3A_2] : memref<401408xi32, #tpu.memory_space<hbm>> -> memref<128xi32, #tpu.memory_space<hbm>>
      %dma_start3A_28 = tpu.memref_slice %arg3[%mul3A_2] : memref<401408xi32, #tpu.memory_space<hbm>> -> memref<128xi32, #tpu.memory_space<hbm>>
      tpu.enqueue_dma source(%dma_start3A_28 : memref<128xi32, #tpu.memory_space<hbm>>) target(%arg5 : memref<128xi32, #tpu.memory_space<vmem>>) target_semaphore(%run_scoped3A : memref<!tpu.dma_semaphore, #tpu.memory_space<semaphore_mem>>)
      %dma_wait3A_29 = tpu.memref_slice %arg3[%mul3A_2] : memref<401408xi32, #tpu.memory_space<hbm>> -> memref<128xi32, #tpu.memory_space<hbm>>
      %dma_wait3A_30 = tpu.memref_slice %arg3[%mul3A_2] : memref<401408xi32, #tpu.memory_space<hbm>> -> memref<128xi32, #tpu.memory_space<hbm>>
      tpu.wait_dma2 semaphore(%run_scoped3A : memref<!tpu.dma_semaphore, #tpu.memory_space<semaphore_mem>>) src(%dma_wait3A_30 : memref<128xi32, #tpu.memory_space<hbm>>) dst(%arg5 : memref<128xi32, #tpu.memory_space<vmem>>)
      tpu.yield
    }) : () -> ()
    %dma_start3A = arith.constant 0 : i32
    %dma_start3A_3 = arith.constant 0 : i32
    %dma_start3A_4 = tpu.memref_slice %arg2[%dma_start3A, %dma_start3A_3] : memref<100352x128xf32, #tpu.memory_space<hbm>> -> memref<100352x128xf32, #tpu.memory_space<hbm>>
    tpu.enqueue_indirect_dma source(%dma_start3A_4 : memref<100352x128xf32, #tpu.memory_space<hbm>>) target(%arg7 : memref<128x128xf32, #tpu.memory_space<vmem>>) offsets(%arg5 : memref<128xi32, #tpu.memory_space<vmem>>) semaphore(%arg9 : memref<!tpu.dma_semaphore, #tpu.memory_space<semaphore_mem>>)
    %scan3A = arith.constant 0 : i32
    %scan3A_5 = arith.constant 0 : i32
    %scan3A_6 = arith.constant 48 : i32
    %scan3A_7 = arith.addi %scan3A_5, %scan3A_6 : i32
    %scan3A_8 = arith.constant 1 : i32
    scf.for %scan3A_27 = %scan3A_5 to %scan3A_7 step %scan3A_8  : i32 {
      %mul3A_28 = arith.constant 2 : i32
      %mul3A_29 = arith.muli %mul3A_28, %scan3A_27 : i32
      %mul3A_30 = arith.constant 128 : i32
      %mul3A_31 = arith.muli %mul3A_29, %mul3A_30 : i32
      %add3A_32 = arith.addi %mul3A_2, %mul3A_31 : i32
      %add3A_33 = arith.constant 128 : i32
      %add3A_34 = arith.addi %add3A_32, %add3A_33 : i32
      "tpu.region"() ({
        %run_scoped3A = tpu.sem_alloc : memref<!tpu.dma_semaphore, #tpu.memory_space<semaphore_mem>>
        %dma_start3A_57 = tpu.memref_slice %arg3[%add3A_34] : memref<401408xi32, #tpu.memory_space<hbm>> -> memref<128xi32, #tpu.memory_space<hbm>>
        %dma_start3A_58 = tpu.memref_slice %arg3[%add3A_34] : memref<401408xi32, #tpu.memory_space<hbm>> -> memref<128xi32, #tpu.memory_space<hbm>>
        tpu.enqueue_dma source(%dma_start3A_58 : memref<128xi32, #tpu.memory_space<hbm>>) target(%arg6 : memref<128xi32, #tpu.memory_space<vmem>>) target_semaphore(%run_scoped3A : memref<!tpu.dma_semaphore, #tpu.memory_space<semaphore_mem>>)
        %dma_wait3A_59 = tpu.memref_slice %arg3[%add3A_34] : memref<401408xi32, #tpu.memory_space<hbm>> -> memref<128xi32, #tpu.memory_space<hbm>>
        %dma_wait3A_60 = tpu.memref_slice %arg3[%add3A_34] : memref<401408xi32, #tpu.memory_space<hbm>> -> memref<128xi32, #tpu.memory_space<hbm>>
        tpu.wait_dma2 semaphore(%run_scoped3A : memref<!tpu.dma_semaphore, #tpu.memory_space<semaphore_mem>>) src(%dma_wait3A_60 : memref<128xi32, #tpu.memory_space<hbm>>) dst(%arg6 : memref<128xi32, #tpu.memory_space<vmem>>)
        tpu.yield
      }) : () -> ()
      %dma_start3A_35 = arith.constant 0 : i32
      %dma_start3A_36 = arith.constant 0 : i32
      %dma_start3A_37 = tpu.memref_slice %arg2[%dma_start3A_35, %dma_start3A_36] : memref<100352x128xf32, #tpu.memory_space<hbm>> -> memref<100352x128xf32, #tpu.memory_space<hbm>>
      tpu.enqueue_indirect_dma source(%dma_start3A_37 : memref<100352x128xf32, #tpu.memory_space<hbm>>) target(%arg8 : memref<128x128xf32, #tpu.memory_space<vmem>>) offsets(%arg6 : memref<128xi32, #tpu.memory_space<vmem>>) semaphore(%arg10 : memref<!tpu.dma_semaphore, #tpu.memory_space<semaphore_mem>>)
      %dma_wait3A_38 = arith.constant 0 : i32
      %dma_wait3A_39 = arith.constant 0 : i32
      %dma_wait3A_40 = tpu.memref_slice %arg2[%dma_wait3A_38, %dma_wait3A_39] : memref<100352x128xf32, #tpu.memory_space<hbm>> -> memref<128x128xf32, #tpu.memory_space<hbm>>
      %dma_wait3A_41 = arith.constant 0 : i32
      %dma_wait3A_42 = arith.constant 0 : i32
      %dma_wait3A_43 = tpu.memref_slice %arg2[%dma_wait3A_41, %dma_wait3A_42] : memref<100352x128xf32, #tpu.memory_space<hbm>> -> memref<128x128xf32, #tpu.memory_space<hbm>>
      tpu.wait_dma2 semaphore(%arg9 : memref<!tpu.dma_semaphore, #tpu.memory_space<semaphore_mem>>) src(%dma_wait3A_43 : memref<128x128xf32, #tpu.memory_space<hbm>>) dst(%arg7 : memref<128x128xf32, #tpu.memory_space<vmem>>)
      "tpu.region"() ({
        %run_scoped3A = tpu.sem_alloc : memref<!tpu.dma_semaphore, #tpu.memory_space<semaphore_mem>>
        %dma_start3A_57 = arith.constant 0 : i32
        %dma_start3A_58 = tpu.memref_slice %arg4[%add3A_32, %dma_start3A_57] : memref<401408x128xf32, #tpu.memory_space<hbm>> -> memref<128x128xf32, #tpu.memory_space<hbm>>
        %dma_start3A_59 = arith.constant 0 : i32
        %dma_start3A_60 = tpu.memref_slice %arg4[%add3A_32, %dma_start3A_59] : memref<401408x128xf32, #tpu.memory_space<hbm>> -> memref<128x128xf32, #tpu.memory_space<hbm>>
        tpu.enqueue_dma source(%arg7 : memref<128x128xf32, #tpu.memory_space<vmem>>) target(%dma_start3A_60 : memref<128x128xf32, #tpu.memory_space<hbm>>) target_semaphore(%run_scoped3A : memref<!tpu.dma_semaphore, #tpu.memory_space<semaphore_mem>>)
        %dma_wait3A_61 = arith.constant 0 : i32
        %dma_wait3A_62 = tpu.memref_slice %arg4[%add3A_32, %dma_wait3A_61] : memref<401408x128xf32, #tpu.memory_space<hbm>> -> memref<128x128xf32, #tpu.memory_space<hbm>>
        %dma_wait3A_63 = arith.constant 0 : i32
        %dma_wait3A_64 = tpu.memref_slice %arg4[%add3A_32, %dma_wait3A_63] : memref<401408x128xf32, #tpu.memory_space<hbm>> -> memref<128x128xf32, #tpu.memory_space<hbm>>
        tpu.wait_dma2 semaphore(%run_scoped3A : memref<!tpu.dma_semaphore, #tpu.memory_space<semaphore_mem>>) src(%arg7 : memref<128x128xf32, #tpu.memory_space<vmem>>) dst(%dma_wait3A_64 : memref<128x128xf32, #tpu.memory_space<hbm>>)
        tpu.yield
      }) : () -> ()
      %add3A_44 = arith.constant 256 : i32
      %add3A_45 = arith.addi %add3A_32, %add3A_44 : i32
      "tpu.region"() ({
        %run_scoped3A = tpu.sem_alloc : memref<!tpu.dma_semaphore, #tpu.memory_space<semaphore_mem>>
        %dma_start3A_57 = tpu.memref_slice %arg3[%add3A_45] : memref<401408xi32, #tpu.memory_space<hbm>> -> memref<128xi32, #tpu.memory_space<hbm>>
        %dma_start3A_58 = tpu.memref_slice %arg3[%add3A_45] : memref<401408xi32, #tpu.memory_space<hbm>> -> memref<128xi32, #tpu.memory_space<hbm>>
        tpu.enqueue_dma source(%dma_start3A_58 : memref<128xi32, #tpu.memory_space<hbm>>) target(%arg5 : memref<128xi32, #tpu.memory_space<vmem>>) target_semaphore(%run_scoped3A : memref<!tpu.dma_semaphore, #tpu.memory_space<semaphore_mem>>)
        %dma_wait3A_59 = tpu.memref_slice %arg3[%add3A_45] : memref<401408xi32, #tpu.memory_space<hbm>> -> memref<128xi32, #tpu.memory_space<hbm>>
        %dma_wait3A_60 = tpu.memref_slice %arg3[%add3A_45] : memref<401408xi32, #tpu.memory_space<hbm>> -> memref<128xi32, #tpu.memory_space<hbm>>
        tpu.wait_dma2 semaphore(%run_scoped3A : memref<!tpu.dma_semaphore, #tpu.memory_space<semaphore_mem>>) src(%dma_wait3A_60 : memref<128xi32, #tpu.memory_space<hbm>>) dst(%arg5 : memref<128xi32, #tpu.memory_space<vmem>>)
        tpu.yield
      }) : () -> ()
      %dma_start3A_46 = arith.constant 0 : i32
      %dma_start3A_47 = arith.constant 0 : i32
      %dma_start3A_48 = tpu.memref_slice %arg2[%dma_start3A_46, %dma_start3A_47] : memref<100352x128xf32, #tpu.memory_space<hbm>> -> memref<100352x128xf32, #tpu.memory_space<hbm>>
      tpu.enqueue_indirect_dma source(%dma_start3A_48 : memref<100352x128xf32, #tpu.memory_space<hbm>>) target(%arg7 : memref<128x128xf32, #tpu.memory_space<vmem>>) offsets(%arg5 : memref<128xi32, #tpu.memory_space<vmem>>) semaphore(%arg9 : memref<!tpu.dma_semaphore, #tpu.memory_space<semaphore_mem>>)
      %dma_wait3A_49 = arith.constant 0 : i32
      %dma_wait3A_50 = arith.constant 0 : i32
      %dma_wait3A_51 = tpu.memref_slice %arg2[%dma_wait3A_49, %dma_wait3A_50] : memref<100352x128xf32, #tpu.memory_space<hbm>> -> memref<128x128xf32, #tpu.memory_space<hbm>>
      %dma_wait3A_52 = arith.constant 0 : i32
      %dma_wait3A_53 = arith.constant 0 : i32
      %dma_wait3A_54 = tpu.memref_slice %arg2[%dma_wait3A_52, %dma_wait3A_53] : memref<100352x128xf32, #tpu.memory_space<hbm>> -> memref<128x128xf32, #tpu.memory_space<hbm>>
      tpu.wait_dma2 semaphore(%arg10 : memref<!tpu.dma_semaphore, #tpu.memory_space<semaphore_mem>>) src(%dma_wait3A_54 : memref<128x128xf32, #tpu.memory_space<hbm>>) dst(%arg8 : memref<128x128xf32, #tpu.memory_space<vmem>>)
      %add3A_55 = arith.constant 128 : i32
      %add3A_56 = arith.addi %add3A_32, %add3A_55 : i32
      "tpu.region"() ({
        %run_scoped3A = tpu.sem_alloc : memref<!tpu.dma_semaphore, #tpu.memory_space<semaphore_mem>>
        %dma_start3A_57 = arith.constant 0 : i32
        %dma_start3A_58 = tpu.memref_slice %arg4[%add3A_56, %dma_start3A_57] : memref<401408x128xf32, #tpu.memory_space<hbm>> -> memref<128x128xf32, #tpu.memory_space<hbm>>
        %dma_start3A_59 = arith.constant 0 : i32
        %dma_start3A_60 = tpu.memref_slice %arg4[%add3A_56, %dma_start3A_59] : memref<401408x128xf32, #tpu.memory_space<hbm>> -> memref<128x128xf32, #tpu.memory_space<hbm>>
        tpu.enqueue_dma source(%arg8 : memref<128x128xf32, #tpu.memory_space<vmem>>) target(%dma_start3A_60 : memref<128x128xf32, #tpu.memory_space<hbm>>) target_semaphore(%run_scoped3A : memref<!tpu.dma_semaphore, #tpu.memory_space<semaphore_mem>>)
        %dma_wait3A_61 = arith.constant 0 : i32
        %dma_wait3A_62 = tpu.memref_slice %arg4[%add3A_56, %dma_wait3A_61] : memref<401408x128xf32, #tpu.memory_space<hbm>> -> memref<128x128xf32, #tpu.memory_space<hbm>>
        %dma_wait3A_63 = arith.constant 0 : i32
        %dma_wait3A_64 = tpu.memref_slice %arg4[%add3A_56, %dma_wait3A_63] : memref<401408x128xf32, #tpu.memory_space<hbm>> -> memref<128x128xf32, #tpu.memory_space<hbm>>
        tpu.wait_dma2 semaphore(%run_scoped3A : memref<!tpu.dma_semaphore, #tpu.memory_space<semaphore_mem>>) src(%arg8 : memref<128x128xf32, #tpu.memory_space<vmem>>) dst(%dma_wait3A_64 : memref<128x128xf32, #tpu.memory_space<hbm>>)
        tpu.yield
      }) : () -> ()
    }
    %scan3A_9 = arith.constant 48 : i32
    %add3A_10 = arith.constant 12416 : i32
    %add3A_11 = arith.addi %mul3A_2, %add3A_10 : i32
    "tpu.region"() ({
      %run_scoped3A = tpu.sem_alloc : memref<!tpu.dma_semaphore, #tpu.memory_space<semaphore_mem>>
      %dma_start3A_27 = tpu.memref_slice %arg3[%add3A_11] : memref<401408xi32, #tpu.memory_space<hbm>> -> memref<128xi32, #tpu.memory_space<hbm>>
      %dma_start3A_28 = tpu.memref_slice %arg3[%add3A_11] : memref<401408xi32, #tpu.memory_space<hbm>> -> memref<128xi32, #tpu.memory_space<hbm>>
      tpu.enqueue_dma source(%dma_start3A_28 : memref<128xi32, #tpu.memory_space<hbm>>) target(%arg6 : memref<128xi32, #tpu.memory_space<vmem>>) target_semaphore(%run_scoped3A : memref<!tpu.dma_semaphore, #tpu.memory_space<semaphore_mem>>)
      %dma_wait3A_29 = tpu.memref_slice %arg3[%add3A_11] : memref<401408xi32, #tpu.memory_space<hbm>> -> memref<128xi32, #tpu.memory_space<hbm>>
      %dma_wait3A_30 = tpu.memref_slice %arg3[%add3A_11] : memref<401408xi32, #tpu.memory_space<hbm>> -> memref<128xi32, #tpu.memory_space<hbm>>
      tpu.wait_dma2 semaphore(%run_scoped3A : memref<!tpu.dma_semaphore, #tpu.memory_space<semaphore_mem>>) src(%dma_wait3A_30 : memref<128xi32, #tpu.memory_space<hbm>>) dst(%arg6 : memref<128xi32, #tpu.memory_space<vmem>>)
      tpu.yield
    }) : () -> ()
    %dma_start3A_12 = arith.constant 0 : i32
    %dma_start3A_13 = arith.constant 0 : i32
    %dma_start3A_14 = tpu.memref_slice %arg2[%dma_start3A_12, %dma_start3A_13] : memref<100352x128xf32, #tpu.memory_space<hbm>> -> memref<100352x128xf32, #tpu.memory_space<hbm>>
    tpu.enqueue_indirect_dma source(%dma_start3A_14 : memref<100352x128xf32, #tpu.memory_space<hbm>>) target(%arg8 : memref<128x128xf32, #tpu.memory_space<vmem>>) offsets(%arg6 : memref<128xi32, #tpu.memory_space<vmem>>) semaphore(%arg10 : memref<!tpu.dma_semaphore, #tpu.memory_space<semaphore_mem>>)
    %dma_wait3A = arith.constant 0 : i32
    %dma_wait3A_15 = arith.constant 0 : i32
    %dma_wait3A_16 = tpu.memref_slice %arg2[%dma_wait3A, %dma_wait3A_15] : memref<100352x128xf32, #tpu.memory_space<hbm>> -> memref<128x128xf32, #tpu.memory_space<hbm>>
    %dma_wait3A_17 = arith.constant 0 : i32
    %dma_wait3A_18 = arith.constant 0 : i32
    %dma_wait3A_19 = tpu.memref_slice %arg2[%dma_wait3A_17, %dma_wait3A_18] : memref<100352x128xf32, #tpu.memory_space<hbm>> -> memref<128x128xf32, #tpu.memory_space<hbm>>
    tpu.wait_dma2 semaphore(%arg9 : memref<!tpu.dma_semaphore, #tpu.memory_space<semaphore_mem>>) src(%dma_wait3A_19 : memref<128x128xf32, #tpu.memory_space<hbm>>) dst(%arg7 : memref<128x128xf32, #tpu.memory_space<vmem>>)
    %sub3A = arith.constant 128 : i32
    %sub3A_20 = arith.subi %add3A_11, %sub3A : i32
    "tpu.region"() ({
      %run_scoped3A = tpu.sem_alloc : memref<!tpu.dma_semaphore, #tpu.memory_space<semaphore_mem>>
      %dma_start3A_27 = arith.constant 0 : i32
      %dma_start3A_28 = tpu.memref_slice %arg4[%sub3A_20, %dma_start3A_27] : memref<401408x128xf32, #tpu.memory_space<hbm>> -> memref<128x128xf32, #tpu.memory_space<hbm>>
      %dma_start3A_29 = arith.constant 0 : i32
      %dma_start3A_30 = tpu.memref_slice %arg4[%sub3A_20, %dma_start3A_29] : memref<401408x128xf32, #tpu.memory_space<hbm>> -> memref<128x128xf32, #tpu.memory_space<hbm>>
      tpu.enqueue_dma source(%arg7 : memref<128x128xf32, #tpu.memory_space<vmem>>) target(%dma_start3A_30 : memref<128x128xf32, #tpu.memory_space<hbm>>) target_semaphore(%run_scoped3A : memref<!tpu.dma_semaphore, #tpu.memory_space<semaphore_mem>>)
      %dma_wait3A_31 = arith.constant 0 : i32
      %dma_wait3A_32 = tpu.memref_slice %arg4[%sub3A_20, %dma_wait3A_31] : memref<401408x128xf32, #tpu.memory_space<hbm>> -> memref<128x128xf32, #tpu.memory_space<hbm>>
      %dma_wait3A_33 = arith.constant 0 : i32
      %dma_wait3A_34 = tpu.memref_slice %arg4[%sub3A_20, %dma_wait3A_33] : memref<401408x128xf32, #tpu.memory_space<hbm>> -> memref<128x128xf32, #tpu.memory_space<hbm>>
      tpu.wait_dma2 semaphore(%run_scoped3A : memref<!tpu.dma_semaphore, #tpu.memory_space<semaphore_mem>>) src(%arg7 : memref<128x128xf32, #tpu.memory_space<vmem>>) dst(%dma_wait3A_34 : memref<128x128xf32, #tpu.memory_space<hbm>>)
      tpu.yield
    }) : () -> ()
    %dma_wait3A_21 = arith.constant 0 : i32
    %dma_wait3A_22 = arith.constant 0 : i32
    %dma_wait3A_23 = tpu.memref_slice %arg2[%dma_wait3A_21, %dma_wait3A_22] : memref<100352x128xf32, #tpu.memory_space<hbm>> -> memref<128x128xf32, #tpu.memory_space<hbm>>
    %dma_wait3A_24 = arith.constant 0 : i32
    %dma_wait3A_25 = arith.constant 0 : i32
    %dma_wait3A_26 = tpu.memref_slice %arg2[%dma_wait3A_24, %dma_wait3A_25] : memref<100352x128xf32, #tpu.memory_space<hbm>> -> memref<128x128xf32, #tpu.memory_space<hbm>>
    tpu.wait_dma2 semaphore(%arg10 : memref<!tpu.dma_semaphore, #tpu.memory_space<semaphore_mem>>) src(%dma_wait3A_26 : memref<128x128xf32, #tpu.memory_space<hbm>>) dst(%arg8 : memref<128x128xf32, #tpu.memory_space<vmem>>)
    "tpu.region"() ({
      %run_scoped3A = tpu.sem_alloc : memref<!tpu.dma_semaphore, #tpu.memory_space<semaphore_mem>>
      %dma_start3A_27 = arith.constant 0 : i32
      %dma_start3A_28 = tpu.memref_slice %arg4[%add3A_11, %dma_start3A_27] : memref<401408x128xf32, #tpu.memory_space<hbm>> -> memref<128x128xf32, #tpu.memory_space<hbm>>
      %dma_start3A_29 = arith.constant 0 : i32
      %dma_start3A_30 = tpu.memref_slice %arg4[%add3A_11, %dma_start3A_29] : memref<401408x128xf32, #tpu.memory_space<hbm>> -> memref<128x128xf32, #tpu.memory_space<hbm>>
      tpu.enqueue_dma source(%arg8 : memref<128x128xf32, #tpu.memory_space<vmem>>) target(%dma_start3A_30 : memref<128x128xf32, #tpu.memory_space<hbm>>) target_semaphore(%run_scoped3A : memref<!tpu.dma_semaphore, #tpu.memory_space<semaphore_mem>>)
      %dma_wait3A_31 = arith.constant 0 : i32
      %dma_wait3A_32 = tpu.memref_slice %arg4[%add3A_11, %dma_wait3A_31] : memref<401408x128xf32, #tpu.memory_space<hbm>> -> memref<128x128xf32, #tpu.memory_space<hbm>>
      %dma_wait3A_33 = arith.constant 0 : i32
      %dma_wait3A_34 = tpu.memref_slice %arg4[%add3A_11, %dma_wait3A_33] : memref<401408x128xf32, #tpu.memory_space<hbm>> -> memref<128x128xf32, #tpu.memory_space<hbm>>
      tpu.wait_dma2 semaphore(%run_scoped3A : memref<!tpu.dma_semaphore, #tpu.memory_space<semaphore_mem>>) src(%arg8 : memref<128x128xf32, #tpu.memory_space<vmem>>) dst(%dma_wait3A_34 : memref<128x128xf32, #tpu.memory_space<hbm>>)
      tpu.yield
    }) : () -> ()
    return
  }
}

module attributes {stable_mosaic.version = 14 : i64} {
  func.func @_p1_body(%arg0: i32, %arg1: i32, %arg2: memref<1x96x8x224xf32, #tpu.memory_space<vmem>>, %arg3: memref<1x96x8x224xf32, #tpu.memory_space<vmem>>, %arg4: memref<1x96x8x224xf32, #tpu.memory_space<vmem>>, %arg5: memref<1x96x8x224xf32, #tpu.memory_space<vmem>>, %arg6: memref<1x96x8x224xf32, #tpu.memory_space<vmem>>, %arg7: memref<1x96x8x224xf32, #tpu.memory_space<vmem>>, %arg8: memref<9x96xf32, #tpu.memory_space<vmem>>, %arg9: memref<9x96xf32, #tpu.memory_space<vmem>>, %arg10: memref<1x224xf32, #tpu.memory_space<vmem>>, %arg11: memref<4x1x8x224xi32, #tpu.memory_space<vmem>>, %arg12: memref<1x8x224xf32, #tpu.memory_space<vmem>>, %arg13: memref<1x8x224x128xf32, #tpu.memory_space<vmem>>, %arg14: memref<1x8x224x96xf32, #tpu.memory_space<vmem>>) attributes {dimension_semantics = [#tpu.dimension_semantics<arbitrary>, #tpu.dimension_semantics<arbitrary>], iteration_bounds = array<i64: 2, 28>, scalar_prefetch = 0 : i64, scratch_operands = 0 : i64, tpu.core_type = #tpu.core_type<tc>, window_params = [{transform_indices = @transform_0, window_bounds = array<i64: 1, 96, 8, 224>}, {transform_indices = @transform_1, window_bounds = array<i64: 1, 96, 8, 224>}, {transform_indices = @transform_2, window_bounds = array<i64: 1, 96, 8, 224>}, {transform_indices = @transform_3, window_bounds = array<i64: 1, 96, 8, 224>}, {transform_indices = @transform_4, window_bounds = array<i64: 1, 96, 8, 224>}, {transform_indices = @transform_5, window_bounds = array<i64: 1, 96, 8, 224>}, {pipeline_mode = #tpu.pipeline_mode<synchronous>, transform_indices = @transform_6, window_bounds = array<i64: 9, 96>}, {pipeline_mode = #tpu.pipeline_mode<synchronous>, transform_indices = @transform_7, window_bounds = array<i64: 9, 96>}, {pipeline_mode = #tpu.pipeline_mode<synchronous>, transform_indices = @transform_8, window_bounds = array<i64: 1, 224>}, {transform_indices = @transform_9, window_bounds = array<i64: 4, 1, 8, 224>}, {transform_indices = @transform_10, window_bounds = array<i64: 1, 8, 224>}, {transform_indices = @transform_11, window_bounds = array<i64: 1, 8, 224, 128>}, {transform_indices = @transform_12, window_bounds = array<i64: 1, 8, 224, 96>}]} {
    %gt3A = arith.constant 0 : i32
    %gt3A_0 = arith.cmpi sgt, %arg1, %gt3A : i32
    %convert_element_type3A = arith.extui %gt3A_0 : i1 to i32
    %convert_element_type3A_1 = arith.sitofp %convert_element_type3A : i32 to f32
    %lt3A = arith.constant 27 : i32
    %lt3A_2 = arith.cmpi slt, %arg1, %lt3A : i32
    %convert_element_type3A_3 = arith.extui %lt3A_2 : i1 to i32
    %convert_element_type3A_4 = arith.sitofp %convert_element_type3A_3 : i32 to f32
    %get3A = arith.constant 0 : index
    %get3A_5 = arith.constant 0 : index
    %get3A_6 = arith.constant 7 : index
    %get3A_7 = arith.constant 0 : index
    %get3A_8 = vector.load %arg3[%get3A, %get3A_5, %get3A_6, %get3A_7] : memref<1x96x8x224xf32, #tpu.memory_space<vmem>>, vector<1x96x1x224xf32>
    %get3A_9 = vector.shape_cast %get3A_8 : vector<1x96x1x224xf32> to vector<96x224xf32>
    %transpose3A = tpu.transpose %get3A_9, [1, 0] : vector<96x224xf32> -> vector<224x96xf32>
    %mul3A = vector.broadcast %convert_element_type3A_1 : f32 to vector<224x96xf32>
    %mul3A_10 = arith.mulf %transpose3A, %mul3A : vector<224x96xf32>
    %get3A_11 = arith.constant 0 : index
    %get3A_12 = arith.constant 0 : index
    %get3A_13 = arith.constant 0 : index
    %get3A_14 = arith.constant 0 : index
    %get3A_15 = vector.load %arg2[%get3A_11, %get3A_12, %get3A_13, %get3A_14] : memref<1x96x8x224xf32, #tpu.memory_space<vmem>>, vector<1x96x1x224xf32>
    %get3A_16 = vector.shape_cast %get3A_15 : vector<1x96x1x224xf32> to vector<96x224xf32>
    %transpose3A_17 = tpu.transpose %get3A_16, [1, 0] : vector<96x224xf32> -> vector<224x96xf32>
    %get3A_18 = arith.constant 0 : index
    %get3A_19 = arith.constant 0 : index
    %get3A_20 = arith.constant 1 : index
    %get3A_21 = arith.constant 0 : index
    %get3A_22 = vector.load %arg2[%get3A_18, %get3A_19, %get3A_20, %get3A_21] : memref<1x96x8x224xf32, #tpu.memory_space<vmem>>, vector<1x96x1x224xf32>
    %get3A_23 = vector.shape_cast %get3A_22 : vector<1x96x1x224xf32> to vector<96x224xf32>
    %transpose3A_24 = tpu.transpose %get3A_23, [1, 0] : vector<96x224xf32> -> vector<224x96xf32>
    %get3A_25 = arith.constant 0 : index
    %get3A_26 = arith.constant 0 : index
    %get3A_27 = arith.constant 2 : index
    %get3A_28 = arith.constant 0 : index
    %get3A_29 = vector.load %arg2[%get3A_25, %get3A_26, %get3A_27, %get3A_28] : memref<1x96x8x224xf32, #tpu.memory_space<vmem>>, vector<1x96x1x224xf32>
    %get3A_30 = vector.shape_cast %get3A_29 : vector<1x96x1x224xf32> to vector<96x224xf32>
    %transpose3A_31 = tpu.transpose %get3A_30, [1, 0] : vector<96x224xf32> -> vector<224x96xf32>
    %get3A_32 = arith.constant 0 : index
    %get3A_33 = arith.constant 0 : index
    %get3A_34 = arith.constant 3 : index
    %get3A_35 = arith.constant 0 : index
    %get3A_36 = vector.load %arg2[%get3A_32, %get3A_33, %get3A_34, %get3A_35] : memref<1x96x8x224xf32, #tpu.memory_space<vmem>>, vector<1x96x1x224xf32>
    %get3A_37 = vector.shape_cast %get3A_36 : vector<1x96x1x224xf32> to vector<96x224xf32>
    %transpose3A_38 = tpu.transpose %get3A_37, [1, 0] : vector<96x224xf32> -> vector<224x96xf32>
    %get3A_39 = arith.constant 0 : index
    %get3A_40 = arith.constant 0 : index
    %get3A_41 = arith.constant 4 : index
    %get3A_42 = arith.constant 0 : index
    %get3A_43 = vector.load %arg2[%get3A_39, %get3A_40, %get3A_41, %get3A_42] : memref<1x96x8x224xf32, #tpu.memory_space<vmem>>, vector<1x96x1x224xf32>
    %get3A_44 = vector.shape_cast %get3A_43 : vector<1x96x1x224xf32> to vector<96x224xf32>
    %transpose3A_45 = tpu.transpose %get3A_44, [1, 0] : vector<96x224xf32> -> vector<224x96xf32>
    %get3A_46 = arith.constant 0 : index
    %get3A_47 = arith.constant 0 : index
    %get3A_48 = arith.constant 5 : index
    %get3A_49 = arith.constant 0 : index
    %get3A_50 = vector.load %arg2[%get3A_46, %get3A_47, %get3A_48, %get3A_49] : memref<1x96x8x224xf32, #tpu.memory_space<vmem>>, vector<1x96x1x224xf32>
    %get3A_51 = vector.shape_cast %get3A_50 : vector<1x96x1x224xf32> to vector<96x224xf32>
    %transpose3A_52 = tpu.transpose %get3A_51, [1, 0] : vector<96x224xf32> -> vector<224x96xf32>
    %get3A_53 = arith.constant 0 : index
    %get3A_54 = arith.constant 0 : index
    %get3A_55 = arith.constant 6 : index
    %get3A_56 = arith.constant 0 : index
    %get3A_57 = vector.load %arg2[%get3A_53, %get3A_54, %get3A_55, %get3A_56] : memref<1x96x8x224xf32, #tpu.memory_space<vmem>>, vector<1x96x1x224xf32>
    %get3A_58 = vector.shape_cast %get3A_57 : vector<1x96x1x224xf32> to vector<96x224xf32>
    %transpose3A_59 = tpu.transpose %get3A_58, [1, 0] : vector<96x224xf32> -> vector<224x96xf32>
    %get3A_60 = arith.constant 0 : index
    %get3A_61 = arith.constant 0 : index
    %get3A_62 = arith.constant 7 : index
    %get3A_63 = arith.constant 0 : index
    %get3A_64 = vector.load %arg2[%get3A_60, %get3A_61, %get3A_62, %get3A_63] : memref<1x96x8x224xf32, #tpu.memory_space<vmem>>, vector<1x96x1x224xf32>
    %get3A_65 = vector.shape_cast %get3A_64 : vector<1x96x1x224xf32> to vector<96x224xf32>
    %transpose3A_66 = tpu.transpose %get3A_65, [1, 0] : vector<96x224xf32> -> vector<224x96xf32>
    %get3A_67 = arith.constant 0 : index
    %get3A_68 = arith.constant 0 : index
    %get3A_69 = arith.constant 0 : index
    %get3A_70 = arith.constant 0 : index
    %get3A_71 = vector.load %arg4[%get3A_67, %get3A_68, %get3A_69, %get3A_70] : memref<1x96x8x224xf32, #tpu.memory_space<vmem>>, vector<1x96x1x224xf32>
    %get3A_72 = vector.shape_cast %get3A_71 : vector<1x96x1x224xf32> to vector<96x224xf32>
    %transpose3A_73 = tpu.transpose %get3A_72, [1, 0] : vector<96x224xf32> -> vector<224x96xf32>
    %mul3A_74 = vector.broadcast %convert_element_type3A_4 : f32 to vector<224x96xf32>
    %mul3A_75 = arith.mulf %transpose3A_73, %mul3A_74 : vector<224x96xf32>
    %get3A_76 = arith.constant 0 : index
    %get3A_77 = arith.constant 0 : index
    %get3A_78 = arith.constant 7 : index
    %get3A_79 = arith.constant 0 : index
    %get3A_80 = vector.load %arg6[%get3A_76, %get3A_77, %get3A_78, %get3A_79] : memref<1x96x8x224xf32, #tpu.memory_space<vmem>>, vector<1x96x1x224xf32>
    %get3A_81 = vector.shape_cast %get3A_80 : vector<1x96x1x224xf32> to vector<96x224xf32>
    %transpose3A_82 = tpu.transpose %get3A_81, [1, 0] : vector<96x224xf32> -> vector<224x96xf32>
    %mul3A_83 = vector.broadcast %convert_element_type3A_1 : f32 to vector<224x96xf32>
    %mul3A_84 = arith.mulf %transpose3A_82, %mul3A_83 : vector<224x96xf32>
    %get3A_85 = arith.constant 0 : index
    %get3A_86 = arith.constant 0 : index
    %get3A_87 = arith.constant 0 : index
    %get3A_88 = arith.constant 0 : index
    %get3A_89 = vector.load %arg5[%get3A_85, %get3A_86, %get3A_87, %get3A_88] : memref<1x96x8x224xf32, #tpu.memory_space<vmem>>, vector<1x96x1x224xf32>
    %get3A_90 = vector.shape_cast %get3A_89 : vector<1x96x1x224xf32> to vector<96x224xf32>
    %transpose3A_91 = tpu.transpose %get3A_90, [1, 0] : vector<96x224xf32> -> vector<224x96xf32>
    %get3A_92 = arith.constant 0 : index
    %get3A_93 = arith.constant 0 : index
    %get3A_94 = arith.constant 1 : index
    %get3A_95 = arith.constant 0 : index
    %get3A_96 = vector.load %arg5[%get3A_92, %get3A_93, %get3A_94, %get3A_95] : memref<1x96x8x224xf32, #tpu.memory_space<vmem>>, vector<1x96x1x224xf32>
    %get3A_97 = vector.shape_cast %get3A_96 : vector<1x96x1x224xf32> to vector<96x224xf32>
    %transpose3A_98 = tpu.transpose %get3A_97, [1, 0] : vector<96x224xf32> -> vector<224x96xf32>
    %get3A_99 = arith.constant 0 : index
    %get3A_100 = arith.constant 0 : index
    %get3A_101 = arith.constant 2 : index
    %get3A_102 = arith.constant 0 : index
    %get3A_103 = vector.load %arg5[%get3A_99, %get3A_100, %get3A_101, %get3A_102] : memref<1x96x8x224xf32, #tpu.memory_space<vmem>>, vector<1x96x1x224xf32>
    %get3A_104 = vector.shape_cast %get3A_103 : vector<1x96x1x224xf32> to vector<96x224xf32>
    %transpose3A_105 = tpu.transpose %get3A_104, [1, 0] : vector<96x224xf32> -> vector<224x96xf32>
    %get3A_106 = arith.constant 0 : index
    %get3A_107 = arith.constant 0 : index
    %get3A_108 = arith.constant 3 : index
    %get3A_109 = arith.constant 0 : index
    %get3A_110 = vector.load %arg5[%get3A_106, %get3A_107, %get3A_108, %get3A_109] : memref<1x96x8x224xf32, #tpu.memory_space<vmem>>, vector<1x96x1x224xf32>
    %get3A_111 = vector.shape_cast %get3A_110 : vector<1x96x1x224xf32> to vector<96x224xf32>
    %transpose3A_112 = tpu.transpose %get3A_111, [1, 0] : vector<96x224xf32> -> vector<224x96xf32>
    %get3A_113 = arith.constant 0 : index
    %get3A_114 = arith.constant 0 : index
    %get3A_115 = arith.constant 4 : index
    %get3A_116 = arith.constant 0 : index
    %get3A_117 = vector.load %arg5[%get3A_113, %get3A_114, %get3A_115, %get3A_116] : memref<1x96x8x224xf32, #tpu.memory_space<vmem>>, vector<1x96x1x224xf32>
    %get3A_118 = vector.shape_cast %get3A_117 : vector<1x96x1x224xf32> to vector<96x224xf32>
    %transpose3A_119 = tpu.transpose %get3A_118, [1, 0] : vector<96x224xf32> -> vector<224x96xf32>
    %get3A_120 = arith.constant 0 : index
    %get3A_121 = arith.constant 0 : index
    %get3A_122 = arith.constant 5 : index
    %get3A_123 = arith.constant 0 : index
    %get3A_124 = vector.load %arg5[%get3A_120, %get3A_121, %get3A_122, %get3A_123] : memref<1x96x8x224xf32, #tpu.memory_space<vmem>>, vector<1x96x1x224xf32>
    %get3A_125 = vector.shape_cast %get3A_124 : vector<1x96x1x224xf32> to vector<96x224xf32>
    %transpose3A_126 = tpu.transpose %get3A_125, [1, 0] : vector<96x224xf32> -> vector<224x96xf32>
    %get3A_127 = arith.constant 0 : index
    %get3A_128 = arith.constant 0 : index
    %get3A_129 = arith.constant 6 : index
    %get3A_130 = arith.constant 0 : index
    %get3A_131 = vector.load %arg5[%get3A_127, %get3A_128, %get3A_129, %get3A_130] : memref<1x96x8x224xf32, #tpu.memory_space<vmem>>, vector<1x96x1x224xf32>
    %get3A_132 = vector.shape_cast %get3A_131 : vector<1x96x1x224xf32> to vector<96x224xf32>
    %transpose3A_133 = tpu.transpose %get3A_132, [1, 0] : vector<96x224xf32> -> vector<224x96xf32>
    %get3A_134 = arith.constant 0 : index
    %get3A_135 = arith.constant 0 : index
    %get3A_136 = arith.constant 7 : index
    %get3A_137 = arith.constant 0 : index
    %get3A_138 = vector.load %arg5[%get3A_134, %get3A_135, %get3A_136, %get3A_137] : memref<1x96x8x224xf32, #tpu.memory_space<vmem>>, vector<1x96x1x224xf32>
    %get3A_139 = vector.shape_cast %get3A_138 : vector<1x96x1x224xf32> to vector<96x224xf32>
    %transpose3A_140 = tpu.transpose %get3A_139, [1, 0] : vector<96x224xf32> -> vector<224x96xf32>
    %get3A_141 = arith.constant 0 : index
    %get3A_142 = arith.constant 0 : index
    %get3A_143 = arith.constant 0 : index
    %get3A_144 = arith.constant 0 : index
    %get3A_145 = vector.load %arg7[%get3A_141, %get3A_142, %get3A_143, %get3A_144] : memref<1x96x8x224xf32, #tpu.memory_space<vmem>>, vector<1x96x1x224xf32>
    %get3A_146 = vector.shape_cast %get3A_145 : vector<1x96x1x224xf32> to vector<96x224xf32>
    %transpose3A_147 = tpu.transpose %get3A_146, [1, 0] : vector<96x224xf32> -> vector<224x96xf32>
    %mul3A_148 = vector.broadcast %convert_element_type3A_4 : f32 to vector<224x96xf32>
    %mul3A_149 = arith.mulf %transpose3A_147, %mul3A_148 : vector<224x96xf32>
    %stack3A = vector.shape_cast %transpose3A_17 : vector<224x96xf32> to vector<1x224x96xf32>
    %stack3A_150 = vector.shape_cast %transpose3A_24 : vector<224x96xf32> to vector<1x224x96xf32>
    %stack3A_151 = vector.shape_cast %transpose3A_31 : vector<224x96xf32> to vector<1x224x96xf32>
    %stack3A_152 = vector.shape_cast %transpose3A_38 : vector<224x96xf32> to vector<1x224x96xf32>
    %stack3A_153 = vector.shape_cast %transpose3A_45 : vector<224x96xf32> to vector<1x224x96xf32>
    %stack3A_154 = vector.shape_cast %transpose3A_52 : vector<224x96xf32> to vector<1x224x96xf32>
    %stack3A_155 = vector.shape_cast %transpose3A_59 : vector<224x96xf32> to vector<1x224x96xf32>
    %stack3A_156 = vector.shape_cast %transpose3A_66 : vector<224x96xf32> to vector<1x224x96xf32>
    %stack3A_157 = tpu.concatenate %stack3A, %stack3A_150, %stack3A_151, %stack3A_152, %stack3A_153, %stack3A_154, %stack3A_155, %stack3A_156 in 0 : vector<1x224x96xf32>, vector<1x224x96xf32>, vector<1x224x96xf32>, vector<1x224x96xf32>, vector<1x224x96xf32>, vector<1x224x96xf32>, vector<1x224x96xf32>, vector<1x224x96xf32> -> vector<8x224x96xf32>
    %jit3A = arith.constant 0 : i32
    %convert_element_type3A_158 = arith.sitofp %jit3A : i32 to f32
    %pad3A = vector.broadcast %convert_element_type3A_158 : f32 to vector<8x224x32xf32>
    %pad3A_159 = tpu.concatenate %stack3A_157, %pad3A in 2 : vector<8x224x96xf32>, vector<8x224x32xf32> -> vector<8x224x128xf32>
    %swap3A = arith.constant 0 : index
    %swap3A_160 = arith.constant 0 : index
    %swap3A_161 = arith.constant 0 : index
    %swap3A_162 = arith.constant 0 : index
    %swap3A_163 = vector.load %arg13[%swap3A, %swap3A_160, %swap3A_161, %swap3A_162] : memref<1x8x224x128xf32, #tpu.memory_space<vmem>>, vector<1x8x224x128xf32>
    %swap3A_164 = vector.shape_cast %swap3A_163 : vector<1x8x224x128xf32> to vector<8x224x128xf32>
    %swap3A_165 = vector.shape_cast %pad3A_159 : vector<8x224x128xf32> to vector<1x8x224x128xf32>
    tpu.vector_store %arg13[%swap3A, %swap3A_160, %swap3A_161, %swap3A_162], %swap3A_165 {strides = array<i32>} : memref<1x8x224x128xf32, #tpu.memory_space<vmem>>, vector<1x8x224x128xf32>,
    %stack3A_166 = vector.shape_cast %transpose3A_91 : vector<224x96xf32> to vector<1x224x96xf32>
    %stack3A_167 = vector.shape_cast %transpose3A_98 : vector<224x96xf32> to vector<1x224x96xf32>
    %stack3A_168 = vector.shape_cast %transpose3A_105 : vector<224x96xf32> to vector<1x224x96xf32>
    %stack3A_169 = vector.shape_cast %transpose3A_112 : vector<224x96xf32> to vector<1x224x96xf32>
    %stack3A_170 = vector.shape_cast %transpose3A_119 : vector<224x96xf32> to vector<1x224x96xf32>
    %stack3A_171 = vector.shape_cast %transpose3A_126 : vector<224x96xf32> to vector<1x224x96xf32>
    %stack3A_172 = vector.shape_cast %transpose3A_133 : vector<224x96xf32> to vector<1x224x96xf32>
    %stack3A_173 = vector.shape_cast %transpose3A_140 : vector<224x96xf32> to vector<1x224x96xf32>
    %stack3A_174 = tpu.concatenate %stack3A_166, %stack3A_167, %stack3A_168, %stack3A_169, %stack3A_170, %stack3A_171, %stack3A_172, %stack3A_173 in 0 : vector<1x224x96xf32>, vector<1x224x96xf32>, vector<1x224x96xf32>, vector<1x224x96xf32>, vector<1x224x96xf32>, vector<1x224x96xf32>, vector<1x224x96xf32>, vector<1x224x96xf32> -> vector<8x224x96xf32>
    %swap3A_175 = arith.constant 0 : index
    %swap3A_176 = arith.constant 0 : index
    %swap3A_177 = arith.constant 0 : index
    %swap3A_178 = arith.constant 0 : index
    %swap3A_179 = vector.load %arg14[%swap3A_175, %swap3A_176, %swap3A_177, %swap3A_178] : memref<1x8x224x96xf32, #tpu.memory_space<vmem>>, vector<1x8x224x96xf32>
    %swap3A_180 = vector.shape_cast %swap3A_179 : vector<1x8x224x96xf32> to vector<8x224x96xf32>
    %swap3A_181 = vector.shape_cast %stack3A_174 : vector<8x224x96xf32> to vector<1x8x224x96xf32>
    tpu.vector_store %arg14[%swap3A_175, %swap3A_176, %swap3A_177, %swap3A_178], %swap3A_181 {strides = array<i32>} : memref<1x8x224x96xf32, #tpu.memory_space<vmem>>, vector<1x8x224x96xf32>,
    %broadcast_in_dim3A = arith.constant 0.000000e+00 : f32
    %broadcast_in_dim3A_182 = vector.broadcast %broadcast_in_dim3A : f32 to vector<10x1x96xf32>
    %stack3A_183 = vector.shape_cast %mul3A_10 : vector<224x96xf32> to vector<1x224x96xf32>
    %stack3A_184 = vector.shape_cast %transpose3A_17 : vector<224x96xf32> to vector<1x224x96xf32>
    %stack3A_185 = vector.shape_cast %transpose3A_24 : vector<224x96xf32> to vector<1x224x96xf32>
    %stack3A_186 = vector.shape_cast %transpose3A_31 : vector<224x96xf32> to vector<1x224x96xf32>
    %stack3A_187 = vector.shape_cast %transpose3A_38 : vector<224x96xf32> to vector<1x224x96xf32>
    %stack3A_188 = vector.shape_cast %transpose3A_45 : vector<224x96xf32> to vector<1x224x96xf32>
    %stack3A_189 = vector.shape_cast %transpose3A_52 : vector<224x96xf32> to vector<1x224x96xf32>
    %stack3A_190 = vector.shape_cast %transpose3A_59 : vector<224x96xf32> to vector<1x224x96xf32>
    %stack3A_191 = vector.shape_cast %transpose3A_66 : vector<224x96xf32> to vector<1x224x96xf32>
    %stack3A_192 = vector.shape_cast %mul3A_75 : vector<224x96xf32> to vector<1x224x96xf32>
    %stack3A_193 = tpu.concatenate %stack3A_183, %stack3A_184, %stack3A_185, %stack3A_186, %stack3A_187, %stack3A_188, %stack3A_189, %stack3A_190, %stack3A_191, %stack3A_192 in 0 : vector<1x224x96xf32>, vector<1x224x96xf32>, vector<1x224x96xf32>, vector<1x224x96xf32>, vector<1x224x96xf32>, vector<1x224x96xf32>, vector<1x224x96xf32>, vector<1x224x96xf32>, vector<1x224x96xf32>, vector<1x224x96xf32> -> vector<10x224x96xf32>
    %concatenate3A = tpu.concatenate %broadcast_in_dim3A_182, %stack3A_193, %broadcast_in_dim3A_182 in 1 : vector<10x1x96xf32>, vector<10x224x96xf32>, vector<10x1x96xf32> -> vector<10x226x96xf32>
    %convert_element_type3A_194 = arith.truncf %concatenate3A : vector<10x226x96xf32> to vector<10x226x96xbf16>
    %convert_element_type3A_195 = arith.extf %convert_element_type3A_194 : vector<10x226x96xbf16> to vector<10x226x96xf32>
    %stack3A_196 = vector.shape_cast %mul3A_84 : vector<224x96xf32> to vector<1x224x96xf32>
    %stack3A_197 = vector.shape_cast %transpose3A_91 : vector<224x96xf32> to vector<1x224x96xf32>
    %stack3A_198 = vector.shape_cast %transpose3A_98 : vector<224x96xf32> to vector<1x224x96xf32>
    %stack3A_199 = vector.shape_cast %transpose3A_105 : vector<224x96xf32> to vector<1x224x96xf32>
    %stack3A_200 = vector.shape_cast %transpose3A_112 : vector<224x96xf32> to vector<1x224x96xf32>
    %stack3A_201 = vector.shape_cast %transpose3A_119 : vector<224x96xf32> to vector<1x224x96xf32>
    %stack3A_202 = vector.shape_cast %transpose3A_126 : vector<224x96xf32> to vector<1x224x96xf32>
    %stack3A_203 = vector.shape_cast %transpose3A_133 : vector<224x96xf32> to vector<1x224x96xf32>
    %stack3A_204 = vector.shape_cast %transpose3A_140 : vector<224x96xf32> to vector<1x224x96xf32>
    %stack3A_205 = vector.shape_cast %mul3A_149 : vector<224x96xf32> to vector<1x224x96xf32>
    %stack3A_206 = tpu.concatenate %stack3A_196, %stack3A_197, %stack3A_198, %stack3A_199, %stack3A_200, %stack3A_201, %stack3A_202, %stack3A_203, %stack3A_204, %stack3A_205 in 0 : vector<1x224x96xf32>, vector<1x224x96xf32>, vector<1x224x96xf32>, vector<1x224x96xf32>, vector<1x224x96xf32>, vector<1x224x96xf32>, vector<1x224x96xf32>, vector<1x224x96xf32>, vector<1x224x96xf32>, vector<1x224x96xf32> -> vector<10x224x96xf32>
    %concatenate3A_207 = tpu.concatenate %broadcast_in_dim3A_182, %stack3A_206, %broadcast_in_dim3A_182 in 1 : vector<10x1x96xf32>, vector<10x224x96xf32>, vector<10x1x96xf32> -> vector<10x226x96xf32>
    %convert_element_type3A_208 = arith.truncf %concatenate3A_207 : vector<10x226x96xf32> to vector<10x226x96xbf16>
    %convert_element_type3A_209 = arith.extf %convert_element_type3A_208 : vector<10x226x96xbf16> to vector<10x226x96xf32>
    %get3A_210 = arith.constant 0 : index
    %get3A_211 = arith.constant 0 : index
    %get3A_212 = vector.load %arg8[%get3A_210, %get3A_211] : memref<9x96xf32, #tpu.memory_space<vmem>>, vector<9x96xf32>
    %convert_element_type3A_213 = arith.truncf %get3A_212 : vector<9x96xf32> to vector<9x96xbf16>
    %convert_element_type3A_214 = arith.extf %convert_element_type3A_213 : vector<9x96xbf16> to vector<9x96xf32>
    %get3A_215 = arith.constant 0 : index
    %get3A_216 = arith.constant 0 : index
    %get3A_217 = vector.load %arg9[%get3A_215, %get3A_216] : memref<9x96xf32, #tpu.memory_space<vmem>>, vector<9x96xf32>
    %convert_element_type3A_218 = arith.truncf %get3A_217 : vector<9x96xf32> to vector<9x96xbf16>
    %convert_element_type3A_219 = arith.extf %convert_element_type3A_218 : vector<9x96xbf16> to vector<9x96xf32>
    %broadcast_in_dim3A_220 = arith.constant 0.000000e+00 : f32
    %broadcast_in_dim3A_221 = vector.broadcast %broadcast_in_dim3A_220 : f32 to vector<8x224x96xf32>
    %slice3A = vector.extract_strided_slice %convert_element_type3A_195 {offsets = [0, 0, 0], sizes = [8, 224, 96], strides = [1, 1, 1]} : vector<10x226x96xf32> to vector<8x224x96xf32>
    %slice3A_222 = vector.extract_strided_slice %convert_element_type3A_214 {offsets = [0, 0], sizes = [1, 96], strides = [1, 1]} : vector<9x96xf32> to vector<1x96xf32>
    %squeeze3A = vector.shape_cast %slice3A_222 : vector<1x96xf32> to vector<96xf32>
    %broadcast_in_dim3A_223 = vector.shape_cast %squeeze3A : vector<96xf32> to vector<1x1x96xf32>
    %mul3A_224 = vector.broadcast %broadcast_in_dim3A_223 : vector<1x1x96xf32> to vector<8x224x96xf32>
    %mul3A_225 = arith.mulf %slice3A, %mul3A_224 : vector<8x224x96xf32>
    %add3A = arith.addf %broadcast_in_dim3A_221, %mul3A_225 : vector<8x224x96xf32>
    %slice3A_226 = vector.extract_strided_slice %convert_element_type3A_209 {offsets = [0, 0, 0], sizes = [8, 224, 96], strides = [1, 1, 1]} : vector<10x226x96xf32> to vector<8x224x96xf32>
    %slice3A_227 = vector.extract_strided_slice %convert_element_type3A_219 {offsets = [0, 0], sizes = [1, 96], strides = [1, 1]} : vector<9x96xf32> to vector<1x96xf32>
    %squeeze3A_228 = vector.shape_cast %slice3A_227 : vector<1x96xf32> to vector<96xf32>
    %broadcast_in_dim3A_229 = vector.shape_cast %squeeze3A_228 : vector<96xf32> to vector<1x1x96xf32>
    %mul3A_230 = vector.broadcast %broadcast_in_dim3A_229 : vector<1x1x96xf32> to vector<8x224x96xf32>
    %mul3A_231 = arith.mulf %slice3A_226, %mul3A_230 : vector<8x224x96xf32>
    %add3A_232 = arith.addf %add3A, %mul3A_231 : vector<8x224x96xf32>
    %slice3A_233 = vector.extract_strided_slice %convert_element_type3A_195 {offsets = [0, 1, 0], sizes = [8, 224, 96], strides = [1, 1, 1]} : vector<10x226x96xf32> to vector<8x224x96xf32>
    %slice3A_234 = vector.extract_strided_slice %convert_element_type3A_214 {offsets = [1, 0], sizes = [1, 96], strides = [1, 1]} : vector<9x96xf32> to vector<1x96xf32>
    %squeeze3A_235 = vector.shape_cast %slice3A_234 : vector<1x96xf32> to vector<96xf32>
    %broadcast_in_dim3A_236 = vector.shape_cast %squeeze3A_235 : vector<96xf32> to vector<1x1x96xf32>
    %mul3A_237 = vector.broadcast %broadcast_in_dim3A_236 : vector<1x1x96xf32> to vector<8x224x96xf32>
    %mul3A_238 = arith.mulf %slice3A_233, %mul3A_237 : vector<8x224x96xf32>
    %add3A_239 = arith.addf %add3A_232, %mul3A_238 : vector<8x224x96xf32>
    %slice3A_240 = vector.extract_strided_slice %convert_element_type3A_209 {offsets = [0, 1, 0], sizes = [8, 224, 96], strides = [1, 1, 1]} : vector<10x226x96xf32> to vector<8x224x96xf32>
    %slice3A_241 = vector.extract_strided_slice %convert_element_type3A_219 {offsets = [1, 0], sizes = [1, 96], strides = [1, 1]} : vector<9x96xf32> to vector<1x96xf32>
    %squeeze3A_242 = vector.shape_cast %slice3A_241 : vector<1x96xf32> to vector<96xf32>
    %broadcast_in_dim3A_243 = vector.shape_cast %squeeze3A_242 : vector<96xf32> to vector<1x1x96xf32>
    %mul3A_244 = vector.broadcast %broadcast_in_dim3A_243 : vector<1x1x96xf32> to vector<8x224x96xf32>
    %mul3A_245 = arith.mulf %slice3A_240, %mul3A_244 : vector<8x224x96xf32>
    %add3A_246 = arith.addf %add3A_239, %mul3A_245 : vector<8x224x96xf32>
    %slice3A_247 = vector.extract_strided_slice %convert_element_type3A_195 {offsets = [0, 2, 0], sizes = [8, 224, 96], strides = [1, 1, 1]} : vector<10x226x96xf32> to vector<8x224x96xf32>
    %slice3A_248 = vector.extract_strided_slice %convert_element_type3A_214 {offsets = [2, 0], sizes = [1, 96], strides = [1, 1]} : vector<9x96xf32> to vector<1x96xf32>
    %squeeze3A_249 = vector.shape_cast %slice3A_248 : vector<1x96xf32> to vector<96xf32>
    %broadcast_in_dim3A_250 = vector.shape_cast %squeeze3A_249 : vector<96xf32> to vector<1x1x96xf32>
    %mul3A_251 = vector.broadcast %broadcast_in_dim3A_250 : vector<1x1x96xf32> to vector<8x224x96xf32>
    %mul3A_252 = arith.mulf %slice3A_247, %mul3A_251 : vector<8x224x96xf32>
    %add3A_253 = arith.addf %add3A_246, %mul3A_252 : vector<8x224x96xf32>
    %slice3A_254 = vector.extract_strided_slice %convert_element_type3A_209 {offsets = [0, 2, 0], sizes = [8, 224, 96], strides = [1, 1, 1]} : vector<10x226x96xf32> to vector<8x224x96xf32>
    %slice3A_255 = vector.extract_strided_slice %convert_element_type3A_219 {offsets = [2, 0], sizes = [1, 96], strides = [1, 1]} : vector<9x96xf32> to vector<1x96xf32>
    %squeeze3A_256 = vector.shape_cast %slice3A_255 : vector<1x96xf32> to vector<96xf32>
    %broadcast_in_dim3A_257 = vector.shape_cast %squeeze3A_256 : vector<96xf32> to vector<1x1x96xf32>
    %mul3A_258 = vector.broadcast %broadcast_in_dim3A_257 : vector<1x1x96xf32> to vector<8x224x96xf32>
    %mul3A_259 = arith.mulf %slice3A_254, %mul3A_258 : vector<8x224x96xf32>
    %add3A_260 = arith.addf %add3A_253, %mul3A_259 : vector<8x224x96xf32>
    %slice3A_261 = vector.extract_strided_slice %convert_element_type3A_195 {offsets = [1, 0, 0], sizes = [8, 224, 96], strides = [1, 1, 1]} : vector<10x226x96xf32> to vector<8x224x96xf32>
    %slice3A_262 = vector.extract_strided_slice %convert_element_type3A_214 {offsets = [3, 0], sizes = [1, 96], strides = [1, 1]} : vector<9x96xf32> to vector<1x96xf32>
    %squeeze3A_263 = vector.shape_cast %slice3A_262 : vector<1x96xf32> to vector<96xf32>
    %broadcast_in_dim3A_264 = vector.shape_cast %squeeze3A_263 : vector<96xf32> to vector<1x1x96xf32>
    %mul3A_265 = vector.broadcast %broadcast_in_dim3A_264 : vector<1x1x96xf32> to vector<8x224x96xf32>
    %mul3A_266 = arith.mulf %slice3A_261, %mul3A_265 : vector<8x224x96xf32>
    %add3A_267 = arith.addf %add3A_260, %mul3A_266 : vector<8x224x96xf32>
    %slice3A_268 = vector.extract_strided_slice %convert_element_type3A_209 {offsets = [1, 0, 0], sizes = [8, 224, 96], strides = [1, 1, 1]} : vector<10x226x96xf32> to vector<8x224x96xf32>
    %slice3A_269 = vector.extract_strided_slice %convert_element_type3A_219 {offsets = [3, 0], sizes = [1, 96], strides = [1, 1]} : vector<9x96xf32> to vector<1x96xf32>
    %squeeze3A_270 = vector.shape_cast %slice3A_269 : vector<1x96xf32> to vector<96xf32>
    %broadcast_in_dim3A_271 = vector.shape_cast %squeeze3A_270 : vector<96xf32> to vector<1x1x96xf32>
    %mul3A_272 = vector.broadcast %broadcast_in_dim3A_271 : vector<1x1x96xf32> to vector<8x224x96xf32>
    %mul3A_273 = arith.mulf %slice3A_268, %mul3A_272 : vector<8x224x96xf32>
    %add3A_274 = arith.addf %add3A_267, %mul3A_273 : vector<8x224x96xf32>
    %slice3A_275 = vector.extract_strided_slice %convert_element_type3A_195 {offsets = [1, 1, 0], sizes = [8, 224, 96], strides = [1, 1, 1]} : vector<10x226x96xf32> to vector<8x224x96xf32>
    %slice3A_276 = vector.extract_strided_slice %convert_element_type3A_214 {offsets = [4, 0], sizes = [1, 96], strides = [1, 1]} : vector<9x96xf32> to vector<1x96xf32>
    %squeeze3A_277 = vector.shape_cast %slice3A_276 : vector<1x96xf32> to vector<96xf32>
    %broadcast_in_dim3A_278 = vector.shape_cast %squeeze3A_277 : vector<96xf32> to vector<1x1x96xf32>
    %mul3A_279 = vector.broadcast %broadcast_in_dim3A_278 : vector<1x1x96xf32> to vector<8x224x96xf32>
    %mul3A_280 = arith.mulf %slice3A_275, %mul3A_279 : vector<8x224x96xf32>
    %add3A_281 = arith.addf %add3A_274, %mul3A_280 : vector<8x224x96xf32>
    %slice3A_282 = vector.extract_strided_slice %convert_element_type3A_209 {offsets = [1, 1, 0], sizes = [8, 224, 96], strides = [1, 1, 1]} : vector<10x226x96xf32> to vector<8x224x96xf32>
    %slice3A_283 = vector.extract_strided_slice %convert_element_type3A_219 {offsets = [4, 0], sizes = [1, 96], strides = [1, 1]} : vector<9x96xf32> to vector<1x96xf32>
    %squeeze3A_284 = vector.shape_cast %slice3A_283 : vector<1x96xf32> to vector<96xf32>
    %broadcast_in_dim3A_285 = vector.shape_cast %squeeze3A_284 : vector<96xf32> to vector<1x1x96xf32>
    %mul3A_286 = vector.broadcast %broadcast_in_dim3A_285 : vector<1x1x96xf32> to vector<8x224x96xf32>
    %mul3A_287 = arith.mulf %slice3A_282, %mul3A_286 : vector<8x224x96xf32>
    %add3A_288 = arith.addf %add3A_281, %mul3A_287 : vector<8x224x96xf32>
    %slice3A_289 = vector.extract_strided_slice %convert_element_type3A_195 {offsets = [1, 2, 0], sizes = [8, 224, 96], strides = [1, 1, 1]} : vector<10x226x96xf32> to vector<8x224x96xf32>
    %slice3A_290 = vector.extract_strided_slice %convert_element_type3A_214 {offsets = [5, 0], sizes = [1, 96], strides = [1, 1]} : vector<9x96xf32> to vector<1x96xf32>
    %squeeze3A_291 = vector.shape_cast %slice3A_290 : vector<1x96xf32> to vector<96xf32>
    %broadcast_in_dim3A_292 = vector.shape_cast %squeeze3A_291 : vector<96xf32> to vector<1x1x96xf32>
    %mul3A_293 = vector.broadcast %broadcast_in_dim3A_292 : vector<1x1x96xf32> to vector<8x224x96xf32>
    %mul3A_294 = arith.mulf %slice3A_289, %mul3A_293 : vector<8x224x96xf32>
    %add3A_295 = arith.addf %add3A_288, %mul3A_294 : vector<8x224x96xf32>
    %slice3A_296 = vector.extract_strided_slice %convert_element_type3A_209 {offsets = [1, 2, 0], sizes = [8, 224, 96], strides = [1, 1, 1]} : vector<10x226x96xf32> to vector<8x224x96xf32>
    %slice3A_297 = vector.extract_strided_slice %convert_element_type3A_219 {offsets = [5, 0], sizes = [1, 96], strides = [1, 1]} : vector<9x96xf32> to vector<1x96xf32>
    %squeeze3A_298 = vector.shape_cast %slice3A_297 : vector<1x96xf32> to vector<96xf32>
    %broadcast_in_dim3A_299 = vector.shape_cast %squeeze3A_298 : vector<96xf32> to vector<1x1x96xf32>
    %mul3A_300 = vector.broadcast %broadcast_in_dim3A_299 : vector<1x1x96xf32> to vector<8x224x96xf32>
    %mul3A_301 = arith.mulf %slice3A_296, %mul3A_300 : vector<8x224x96xf32>
    %add3A_302 = arith.addf %add3A_295, %mul3A_301 : vector<8x224x96xf32>
    %slice3A_303 = vector.extract_strided_slice %convert_element_type3A_195 {offsets = [2, 0, 0], sizes = [8, 224, 96], strides = [1, 1, 1]} : vector<10x226x96xf32> to vector<8x224x96xf32>
    %slice3A_304 = vector.extract_strided_slice %convert_element_type3A_214 {offsets = [6, 0], sizes = [1, 96], strides = [1, 1]} : vector<9x96xf32> to vector<1x96xf32>
    %squeeze3A_305 = vector.shape_cast %slice3A_304 : vector<1x96xf32> to vector<96xf32>
    %broadcast_in_dim3A_306 = vector.shape_cast %squeeze3A_305 : vector<96xf32> to vector<1x1x96xf32>
    %mul3A_307 = vector.broadcast %broadcast_in_dim3A_306 : vector<1x1x96xf32> to vector<8x224x96xf32>
    %mul3A_308 = arith.mulf %slice3A_303, %mul3A_307 : vector<8x224x96xf32>
    %add3A_309 = arith.addf %add3A_302, %mul3A_308 : vector<8x224x96xf32>
    %slice3A_310 = vector.extract_strided_slice %convert_element_type3A_209 {offsets = [2, 0, 0], sizes = [8, 224, 96], strides = [1, 1, 1]} : vector<10x226x96xf32> to vector<8x224x96xf32>
    %slice3A_311 = vector.extract_strided_slice %convert_element_type3A_219 {offsets = [6, 0], sizes = [1, 96], strides = [1, 1]} : vector<9x96xf32> to vector<1x96xf32>
    %squeeze3A_312 = vector.shape_cast %slice3A_311 : vector<1x96xf32> to vector<96xf32>
    %broadcast_in_dim3A_313 = vector.shape_cast %squeeze3A_312 : vector<96xf32> to vector<1x1x96xf32>
    %mul3A_314 = vector.broadcast %broadcast_in_dim3A_313 : vector<1x1x96xf32> to vector<8x224x96xf32>
    %mul3A_315 = arith.mulf %slice3A_310, %mul3A_314 : vector<8x224x96xf32>
    %add3A_316 = arith.addf %add3A_309, %mul3A_315 : vector<8x224x96xf32>
    %slice3A_317 = vector.extract_strided_slice %convert_element_type3A_195 {offsets = [2, 1, 0], sizes = [8, 224, 96], strides = [1, 1, 1]} : vector<10x226x96xf32> to vector<8x224x96xf32>
    %slice3A_318 = vector.extract_strided_slice %convert_element_type3A_214 {offsets = [7, 0], sizes = [1, 96], strides = [1, 1]} : vector<9x96xf32> to vector<1x96xf32>
    %squeeze3A_319 = vector.shape_cast %slice3A_318 : vector<1x96xf32> to vector<96xf32>
    %broadcast_in_dim3A_320 = vector.shape_cast %squeeze3A_319 : vector<96xf32> to vector<1x1x96xf32>
    %mul3A_321 = vector.broadcast %broadcast_in_dim3A_320 : vector<1x1x96xf32> to vector<8x224x96xf32>
    %mul3A_322 = arith.mulf %slice3A_317, %mul3A_321 : vector<8x224x96xf32>
    %add3A_323 = arith.addf %add3A_316, %mul3A_322 : vector<8x224x96xf32>
    %slice3A_324 = vector.extract_strided_slice %convert_element_type3A_209 {offsets = [2, 1, 0], sizes = [8, 224, 96], strides = [1, 1, 1]} : vector<10x226x96xf32> to vector<8x224x96xf32>
    %slice3A_325 = vector.extract_strided_slice %convert_element_type3A_219 {offsets = [7, 0], sizes = [1, 96], strides = [1, 1]} : vector<9x96xf32> to vector<1x96xf32>
    %squeeze3A_326 = vector.shape_cast %slice3A_325 : vector<1x96xf32> to vector<96xf32>
    %broadcast_in_dim3A_327 = vector.shape_cast %squeeze3A_326 : vector<96xf32> to vector<1x1x96xf32>
    %mul3A_328 = vector.broadcast %broadcast_in_dim3A_327 : vector<1x1x96xf32> to vector<8x224x96xf32>
    %mul3A_329 = arith.mulf %slice3A_324, %mul3A_328 : vector<8x224x96xf32>
    %add3A_330 = arith.addf %add3A_323, %mul3A_329 : vector<8x224x96xf32>
    %slice3A_331 = vector.extract_strided_slice %convert_element_type3A_195 {offsets = [2, 2, 0], sizes = [8, 224, 96], strides = [1, 1, 1]} : vector<10x226x96xf32> to vector<8x224x96xf32>
    %slice3A_332 = vector.extract_strided_slice %convert_element_type3A_214 {offsets = [8, 0], sizes = [1, 96], strides = [1, 1]} : vector<9x96xf32> to vector<1x96xf32>
    %squeeze3A_333 = vector.shape_cast %slice3A_332 : vector<1x96xf32> to vector<96xf32>
    %broadcast_in_dim3A_334 = vector.shape_cast %squeeze3A_333 : vector<96xf32> to vector<1x1x96xf32>
    %mul3A_335 = vector.broadcast %broadcast_in_dim3A_334 : vector<1x1x96xf32> to vector<8x224x96xf32>
    %mul3A_336 = arith.mulf %slice3A_331, %mul3A_335 : vector<8x224x96xf32>
    %add3A_337 = arith.addf %add3A_330, %mul3A_336 : vector<8x224x96xf32>
    %slice3A_338 = vector.extract_strided_slice %convert_element_type3A_209 {offsets = [2, 2, 0], sizes = [8, 224, 96], strides = [1, 1, 1]} : vector<10x226x96xf32> to vector<8x224x96xf32>
    %slice3A_339 = vector.extract_strided_slice %convert_element_type3A_219 {offsets = [8, 0], sizes = [1, 96], strides = [1, 1]} : vector<9x96xf32> to vector<1x96xf32>
    %squeeze3A_340 = vector.shape_cast %slice3A_339 : vector<1x96xf32> to vector<96xf32>
    %broadcast_in_dim3A_341 = vector.shape_cast %squeeze3A_340 : vector<96xf32> to vector<1x1x96xf32>
    %mul3A_342 = vector.broadcast %broadcast_in_dim3A_341 : vector<1x1x96xf32> to vector<8x224x96xf32>
    %mul3A_343 = arith.mulf %slice3A_338, %mul3A_342 : vector<8x224x96xf32>
    %add3A_344 = arith.addf %add3A_337, %mul3A_343 : vector<8x224x96xf32>
    %reduce_sum3A = arith.constant dense<0.000000e+00> : vector<8x224xf32>
    %reduce_sum3A_345 = vector.multi_reduction <add>, %add3A_344, %reduce_sum3A [2] : vector<8x224x96xf32> to vector<8x224xf32>
    %get3A_346 = arith.constant 0 : index
    %get3A_347 = arith.constant 0 : index
    %get3A_348 = vector.load %arg10[%get3A_346, %get3A_347] : memref<1x224xf32, #tpu.memory_space<vmem>>, vector<1x224xf32>
    %add3A_349 = vector.broadcast %get3A_348 : vector<1x224xf32> to vector<8x224xf32>
    %add3A_350 = arith.addf %reduce_sum3A_345, %add3A_349 : vector<8x224xf32>
    %mul3A_351 = arith.constant 2.000000e+00 : f32
    %mul3A_352 = vector.broadcast %mul3A_351 : f32 to vector<8x224xf32>
    %mul3A_353 = arith.mulf %add3A_350, %mul3A_352 : vector<8x224xf32>
    %div3A = arith.constant 2.240000e+02 : f32
    %div3A_354 = vector.broadcast %div3A : f32 to vector<8x224xf32>
    %div3A_355 = arith.divf %mul3A_353, %div3A_354 : vector<8x224xf32>
    %iota3A = tpu.iota {dimensions = array<i32: 1>} : vector<8x224xi32>
    %convert_element_type3A_356 = arith.sitofp %iota3A : vector<8x224xi32> to vector<8x224xf32>
    %add3A_357 = arith.addf %convert_element_type3A_356, %div3A_355 : vector<8x224xf32>
    %floor3A = math.floor %add3A_357 : vector<8x224xf32>
    %sub3A = arith.subf %add3A_357, %floor3A : vector<8x224xf32>
    %swap3A_358 = arith.constant 0 : index
    %swap3A_359 = arith.constant 0 : index
    %swap3A_360 = arith.constant 0 : index
    %swap3A_361 = vector.load %arg12[%swap3A_358, %swap3A_359, %swap3A_360] : memref<1x8x224xf32, #tpu.memory_space<vmem>>, vector<1x8x224xf32>
    %swap3A_362 = vector.shape_cast %swap3A_361 : vector<1x8x224xf32> to vector<8x224xf32>
    %swap3A_363 = vector.shape_cast %sub3A : vector<8x224xf32> to vector<1x8x224xf32>
    tpu.vector_store %arg12[%swap3A_358, %swap3A_359, %swap3A_360], %swap3A_363 {strides = array<i32>} : memref<1x8x224xf32, #tpu.memory_space<vmem>>, vector<1x8x224xf32>,
    %mul3A_364 = arith.constant 8 : i32
    %mul3A_365 = arith.muli %arg1, %mul3A_364 : i32
    %iota3A_366 = tpu.iota {dimensions = array<i32: 0>} : vector<8x224xi32>
    %add3A_367 = vector.broadcast %mul3A_365 : i32 to vector<8x224xi32>
    %add3A_368 = arith.addi %add3A_367, %iota3A_366 : vector<8x224xi32>
    %mul3A_369 = arith.constant 50176 : i32
    %mul3A_370 = arith.muli %arg0, %mul3A_369 : i32
    %add3A_371 = arith.constant 0 : i32
    %add3A_372 = vector.broadcast %add3A_371 : i32 to vector<8x224xi32>
    %add3A_373 = arith.addi %add3A_368, %add3A_372 : vector<8x224xi32>
    %min3A = arith.constant 223 : i32
    %min3A_374 = vector.broadcast %min3A : i32 to vector<8x224xi32>
    %min3A_375 = arith.minsi %add3A_373, %min3A_374 : vector<8x224xi32>
    %add3A_376 = arith.constant 0.000000e+00 : f32
    %add3A_377 = vector.broadcast %add3A_376 : f32 to vector<8x224xf32>
    %add3A_378 = arith.addf %floor3A, %add3A_377 : vector<8x224xf32>
    %jit3A_379 = arith.constant 0.000000e+00 : f32
    %jit3A_380 = arith.constant 2.230000e+02 : f32
    %max3A = vector.broadcast %jit3A_379 : f32 to vector<8x224xf32>
    %max3A_381 = arith.maximumf %max3A, %add3A_378 : vector<8x224xf32>
    %min3A_382 = vector.broadcast %jit3A_380 : f32 to vector<8x224xf32>
    %min3A_383 = arith.minimumf %min3A_382, %max3A_381 : vector<8x224xf32>
    %convert_element_type3A_384 = arith.fptosi %min3A_383 : vector<8x224xf32> to vector<8x224xi32>
    %mul3A_385 = arith.constant 224 : i32
    %mul3A_386 = vector.broadcast %mul3A_385 : i32 to vector<8x224xi32>
    %mul3A_387 = arith.muli %min3A_375, %mul3A_386 : vector<8x224xi32>
    %add3A_388 = vector.broadcast %mul3A_370 : i32 to vector<8x224xi32>
    %add3A_389 = arith.addi %add3A_388, %mul3A_387 : vector<8x224xi32>
    %add3A_390 = arith.addi %add3A_389, %convert_element_type3A_384 : vector<8x224xi32>
    %swap3A_391 = arith.constant 0 : index
    %swap3A_392 = arith.constant 0 : index
    %swap3A_393 = arith.constant 0 : index
    %swap3A_394 = arith.constant 0 : index
    %swap3A_395 = vector.load %arg11[%swap3A_391, %swap3A_392, %swap3A_393, %swap3A_394] : memref<4x1x8x224xi32, #tpu.memory_space<vmem>>, vector<1x1x8x224xi32>
    %swap3A_396 = vector.shape_cast %swap3A_395 : vector<1x1x8x224xi32> to vector<8x224xi32>
    %swap3A_397 = vector.shape_cast %add3A_390 : vector<8x224xi32> to vector<1x1x8x224xi32>
    tpu.vector_store %arg11[%swap3A_391, %swap3A_392, %swap3A_393, %swap3A_394], %swap3A_397 {strides = array<i32>} : memref<4x1x8x224xi32, #tpu.memory_space<vmem>>, vector<1x1x8x224xi32>,
    %add3A_398 = arith.constant 0 : i32
    %add3A_399 = vector.broadcast %add3A_398 : i32 to vector<8x224xi32>
    %add3A_400 = arith.addi %add3A_368, %add3A_399 : vector<8x224xi32>
    %min3A_401 = arith.constant 223 : i32
    %min3A_402 = vector.broadcast %min3A_401 : i32 to vector<8x224xi32>
    %min3A_403 = arith.minsi %add3A_400, %min3A_402 : vector<8x224xi32>
    %add3A_404 = arith.constant 1.000000e+00 : f32
    %add3A_405 = vector.broadcast %add3A_404 : f32 to vector<8x224xf32>
    %add3A_406 = arith.addf %floor3A, %add3A_405 : vector<8x224xf32>
    %jit3A_407 = arith.constant 0.000000e+00 : f32
    %jit3A_408 = arith.constant 2.230000e+02 : f32
    %max3A_409 = vector.broadcast %jit3A_407 : f32 to vector<8x224xf32>
    %max3A_410 = arith.maximumf %max3A_409, %add3A_406 : vector<8x224xf32>
    %min3A_411 = vector.broadcast %jit3A_408 : f32 to vector<8x224xf32>
    %min3A_412 = arith.minimumf %min3A_411, %max3A_410 : vector<8x224xf32>
    %convert_element_type3A_413 = arith.fptosi %min3A_412 : vector<8x224xf32> to vector<8x224xi32>
    %mul3A_414 = arith.constant 224 : i32
    %mul3A_415 = vector.broadcast %mul3A_414 : i32 to vector<8x224xi32>
    %mul3A_416 = arith.muli %min3A_403, %mul3A_415 : vector<8x224xi32>
    %add3A_417 = vector.broadcast %mul3A_370 : i32 to vector<8x224xi32>
    %add3A_418 = arith.addi %add3A_417, %mul3A_416 : vector<8x224xi32>
    %add3A_419 = arith.addi %add3A_418, %convert_element_type3A_413 : vector<8x224xi32>
    %swap3A_420 = arith.constant 1 : index
    %swap3A_421 = arith.constant 0 : index
    %swap3A_422 = arith.constant 0 : index
    %swap3A_423 = arith.constant 0 : index
    %swap3A_424 = vector.load %arg11[%swap3A_420, %swap3A_421, %swap3A_422, %swap3A_423] : memref<4x1x8x224xi32, #tpu.memory_space<vmem>>, vector<1x1x8x224xi32>
    %swap3A_425 = vector.shape_cast %swap3A_424 : vector<1x1x8x224xi32> to vector<8x224xi32>
    %swap3A_426 = vector.shape_cast %add3A_419 : vector<8x224xi32> to vector<1x1x8x224xi32>
    tpu.vector_store %arg11[%swap3A_420, %swap3A_421, %swap3A_422, %swap3A_423], %swap3A_426 {strides = array<i32>} : memref<4x1x8x224xi32, #tpu.memory_space<vmem>>, vector<1x1x8x224xi32>,
    %add3A_427 = arith.constant 1 : i32
    %add3A_428 = vector.broadcast %add3A_427 : i32 to vector<8x224xi32>
    %add3A_429 = arith.addi %add3A_368, %add3A_428 : vector<8x224xi32>
    %min3A_430 = arith.constant 223 : i32
    %min3A_431 = vector.broadcast %min3A_430 : i32 to vector<8x224xi32>
    %min3A_432 = arith.minsi %add3A_429, %min3A_431 : vector<8x224xi32>
    %add3A_433 = arith.constant 0.000000e+00 : f32
    %add3A_434 = vector.broadcast %add3A_433 : f32 to vector<8x224xf32>
    %add3A_435 = arith.addf %floor3A, %add3A_434 : vector<8x224xf32>
    %jit3A_436 = arith.constant 0.000000e+00 : f32
    %jit3A_437 = arith.constant 2.230000e+02 : f32
    %max3A_438 = vector.broadcast %jit3A_436 : f32 to vector<8x224xf32>
    %max3A_439 = arith.maximumf %max3A_438, %add3A_435 : vector<8x224xf32>
    %min3A_440 = vector.broadcast %jit3A_437 : f32 to vector<8x224xf32>
    %min3A_441 = arith.minimumf %min3A_440, %max3A_439 : vector<8x224xf32>
    %convert_element_type3A_442 = arith.fptosi %min3A_441 : vector<8x224xf32> to vector<8x224xi32>
    %mul3A_443 = arith.constant 224 : i32
    %mul3A_444 = vector.broadcast %mul3A_443 : i32 to vector<8x224xi32>
    %mul3A_445 = arith.muli %min3A_432, %mul3A_444 : vector<8x224xi32>
    %add3A_446 = vector.broadcast %mul3A_370 : i32 to vector<8x224xi32>
    %add3A_447 = arith.addi %add3A_446, %mul3A_445 : vector<8x224xi32>
    %add3A_448 = arith.addi %add3A_447, %convert_element_type3A_442 : vector<8x224xi32>
    %swap3A_449 = arith.constant 2 : index
    %swap3A_450 = arith.constant 0 : index
    %swap3A_451 = arith.constant 0 : index
    %swap3A_452 = arith.constant 0 : index
    %swap3A_453 = vector.load %arg11[%swap3A_449, %swap3A_450, %swap3A_451, %swap3A_452] : memref<4x1x8x224xi32, #tpu.memory_space<vmem>>, vector<1x1x8x224xi32>
    %swap3A_454 = vector.shape_cast %swap3A_453 : vector<1x1x8x224xi32> to vector<8x224xi32>
    %swap3A_455 = vector.shape_cast %add3A_448 : vector<8x224xi32> to vector<1x1x8x224xi32>
    tpu.vector_store %arg11[%swap3A_449, %swap3A_450, %swap3A_451, %swap3A_452], %swap3A_455 {strides = array<i32>} : memref<4x1x8x224xi32, #tpu.memory_space<vmem>>, vector<1x1x8x224xi32>,
    %add3A_456 = arith.constant 1 : i32
    %add3A_457 = vector.broadcast %add3A_456 : i32 to vector<8x224xi32>
    %add3A_458 = arith.addi %add3A_368, %add3A_457 : vector<8x224xi32>
    %min3A_459 = arith.constant 223 : i32
    %min3A_460 = vector.broadcast %min3A_459 : i32 to vector<8x224xi32>
    %min3A_461 = arith.minsi %add3A_458, %min3A_460 : vector<8x224xi32>
    %add3A_462 = arith.constant 1.000000e+00 : f32
    %add3A_463 = vector.broadcast %add3A_462 : f32 to vector<8x224xf32>
    %add3A_464 = arith.addf %floor3A, %add3A_463 : vector<8x224xf32>
    %jit3A_465 = arith.constant 0.000000e+00 : f32
    %jit3A_466 = arith.constant 2.230000e+02 : f32
    %max3A_467 = vector.broadcast %jit3A_465 : f32 to vector<8x224xf32>
    %max3A_468 = arith.maximumf %max3A_467, %add3A_464 : vector<8x224xf32>
    %min3A_469 = vector.broadcast %jit3A_466 : f32 to vector<8x224xf32>
    %min3A_470 = arith.minimumf %min3A_469, %max3A_468 : vector<8x224xf32>
    %convert_element_type3A_471 = arith.fptosi %min3A_470 : vector<8x224xf32> to vector<8x224xi32>
    %mul3A_472 = arith.constant 224 : i32
    %mul3A_473 = vector.broadcast %mul3A_472 : i32 to vector<8x224xi32>
    %mul3A_474 = arith.muli %min3A_461, %mul3A_473 : vector<8x224xi32>
    %add3A_475 = vector.broadcast %mul3A_370 : i32 to vector<8x224xi32>
    %add3A_476 = arith.addi %add3A_475, %mul3A_474 : vector<8x224xi32>
    %add3A_477 = arith.addi %add3A_476, %convert_element_type3A_471 : vector<8x224xi32>
    %swap3A_478 = arith.constant 3 : index
    %swap3A_479 = arith.constant 0 : index
    %swap3A_480 = arith.constant 0 : index
    %swap3A_481 = arith.constant 0 : index
    %swap3A_482 = vector.load %arg11[%swap3A_478, %swap3A_479, %swap3A_480, %swap3A_481] : memref<4x1x8x224xi32, #tpu.memory_space<vmem>>, vector<1x1x8x224xi32>
    %swap3A_483 = vector.shape_cast %swap3A_482 : vector<1x1x8x224xi32> to vector<8x224xi32>
    %swap3A_484 = vector.shape_cast %add3A_477 : vector<8x224xi32> to vector<1x1x8x224xi32>
    tpu.vector_store %arg11[%swap3A_478, %swap3A_479, %swap3A_480, %swap3A_481], %swap3A_484 {strides = array<i32>} : memref<4x1x8x224xi32, #tpu.memory_space<vmem>>, vector<1x1x8x224xi32>,
    return
  }
  func.func @transform_0(%arg0: i32, %arg1: i32) -> (i32, i32, i32, i32) {
    %c0_i32 = arith.constant 0 : i32
    %c0_i32_0 = arith.constant 0 : i32
    %c0_i32_1 = arith.constant 0 : i32
    return %arg0, %c0_i32, %arg1, %c0_i32_0 : i32, i32, i32, i32
  }
  func.func @transform_1(%arg0: i32, %arg1: i32) -> (i32, i32, i32, i32) {
    %sub3A = arith.constant 1 : i32
    %sub3A_0 = arith.subi %arg1, %sub3A : i32
    %max3A = arith.constant 0 : i32
    %max3A_1 = arith.maxsi %sub3A_0, %max3A : i32
    %c0_i32 = arith.constant 0 : i32
    %c0_i32_2 = arith.constant 0 : i32
    %c0_i32_3 = arith.constant 0 : i32
    return %arg0, %c0_i32, %max3A_1, %c0_i32_2 : i32, i32, i32, i32
  }
  func.func @transform_2(%arg0: i32, %arg1: i32) -> (i32, i32, i32, i32) {
    %add3A = arith.constant 1 : i32
    %add3A_0 = arith.addi %arg1, %add3A : i32
    %min3A = arith.constant 27 : i32
    %min3A_1 = arith.minsi %add3A_0, %min3A : i32
    %c0_i32 = arith.constant 0 : i32
    %c0_i32_2 = arith.constant 0 : i32
    %c0_i32_3 = arith.constant 0 : i32
    return %arg0, %c0_i32, %min3A_1, %c0_i32_2 : i32, i32, i32, i32
  }
  func.func @transform_3(%arg0: i32, %arg1: i32) -> (i32, i32, i32, i32) {
    %c0_i32 = arith.constant 0 : i32
    %c0_i32_0 = arith.constant 0 : i32
    %c0_i32_1 = arith.constant 0 : i32
    return %arg0, %c0_i32, %arg1, %c0_i32_0 : i32, i32, i32, i32
  }
  func.func @transform_4(%arg0: i32, %arg1: i32) -> (i32, i32, i32, i32) {
    %sub3A = arith.constant 1 : i32
    %sub3A_0 = arith.subi %arg1, %sub3A : i32
    %max3A = arith.constant 0 : i32
    %max3A_1 = arith.maxsi %sub3A_0, %max3A : i32
    %c0_i32 = arith.constant 0 : i32
    %c0_i32_2 = arith.constant 0 : i32
    %c0_i32_3 = arith.constant 0 : i32
    return %arg0, %c0_i32, %max3A_1, %c0_i32_2 : i32, i32, i32, i32
  }
  func.func @transform_5(%arg0: i32, %arg1: i32) -> (i32, i32, i32, i32) {
    %add3A = arith.constant 1 : i32
    %add3A_0 = arith.addi %arg1, %add3A : i32
    %min3A = arith.constant 27 : i32
    %min3A_1 = arith.minsi %add3A_0, %min3A : i32
    %c0_i32 = arith.constant 0 : i32
    %c0_i32_2 = arith.constant 0 : i32
    %c0_i32_3 = arith.constant 0 : i32
    return %arg0, %c0_i32, %min3A_1, %c0_i32_2 : i32, i32, i32, i32
  }
  func.func @transform_6(%arg0: i32, %arg1: i32) -> (i32, i32) {
    %c0_i32 = arith.constant 0 : i32
    %c0_i32_0 = arith.constant 0 : i32
    %c0_i32_1 = arith.constant 0 : i32
    return %c0_i32, %c0_i32_0 : i32, i32
  }
  func.func @transform_7(%arg0: i32, %arg1: i32) -> (i32, i32) {
    %c0_i32 = arith.constant 0 : i32
    %c0_i32_0 = arith.constant 0 : i32
    %c0_i32_1 = arith.constant 0 : i32
    return %c0_i32, %c0_i32_0 : i32, i32
  }
  func.func @transform_8(%arg0: i32, %arg1: i32) -> (i32, i32) {
    %c0_i32 = arith.constant 0 : i32
    %c0_i32_0 = arith.constant 0 : i32
    %c0_i32_1 = arith.constant 0 : i32
    return %c0_i32, %c0_i32_0 : i32, i32
  }
  func.func @transform_9(%arg0: i32, %arg1: i32) -> (i32, i32, i32, i32) {
    %c0_i32 = arith.constant 0 : i32
    %c0_i32_0 = arith.constant 0 : i32
    %c0_i32_1 = arith.constant 0 : i32
    return %c0_i32, %arg0, %arg1, %c0_i32_0 : i32, i32, i32, i32
  }
  func.func @transform_10(%arg0: i32, %arg1: i32) -> (i32, i32, i32) {
    %c0_i32 = arith.constant 0 : i32
    %c0_i32_0 = arith.constant 0 : i32
    return %arg0, %arg1, %c0_i32 : i32, i32, i32
  }
  func.func @transform_11(%arg0: i32, %arg1: i32) -> (i32, i32, i32, i32) {
    %c0_i32 = arith.constant 0 : i32
    %c0_i32_0 = arith.constant 0 : i32
    %c0_i32_1 = arith.constant 0 : i32
    return %arg0, %arg1, %c0_i32, %c0_i32_0 : i32, i32, i32, i32
  }
  func.func @transform_12(%arg0: i32, %arg1: i32) -> (i32, i32, i32, i32) {
    %c0_i32 = arith.constant 0 : i32
    %c0_i32_0 = arith.constant 0 : i32
    %c0_i32_1 = arith.constant 0 : i32
    return %arg0, %arg1, %c0_i32, %c0_i32_0 : i32, i32, i32, i32
  }
}

module attributes {stable_mosaic.version = 14 : i64} {
  func.func @_p3_body(%arg0: i32, %arg1: i32, %arg2: memref<1792x96xf32, #tpu.memory_space<vmem>>, %arg3: memref<1x1x1792xf32, #tpu.memory_space<vmem>>, %arg4: memref<4x1792x128xf32, #tpu.memory_space<vmem>>, %arg5: memref<96x96xf32, #tpu.memory_space<vmem>>, %arg6: memref<128x96xf32, #tpu.memory_space<vmem>>, %arg7: memref<128x96xf32, #tpu.memory_space<vmem>>, %arg8: memref<13x96xf32, #tpu.memory_space<vmem>>, %arg9: memref<1x96xf32, #tpu.memory_space<vmem>>, %arg10: memref<4x96xf32, #tpu.memory_space<vmem>>, %arg11: memref<4x96xf32, #tpu.memory_space<vmem>>, %arg12: memref<96x8xf32, #tpu.memory_space<vmem>>, %arg13: memref<8x96xf32, #tpu.memory_space<vmem>>, %arg14: memref<1x96x8x224xf32, #tpu.memory_space<vmem>>) attributes {dimension_semantics = [#tpu.dimension_semantics<arbitrary>, #tpu.dimension_semantics<arbitrary>], iteration_bounds = array<i64: 2, 28>, scalar_prefetch = 0 : i64, scratch_operands = 0 : i64, tpu.core_type = #tpu.core_type<tc>, window_params = [{transform_indices = @transform_0, window_bounds = array<i64: 1792, 96>}, {transform_indices = @transform_1, window_bounds = array<i64: 1, 1, 1792>}, {transform_indices = @transform_2, window_bounds = array<i64: 4, 1792, 128>}, {pipeline_mode = #tpu.pipeline_mode<synchronous>, transform_indices = @transform_3, window_bounds = array<i64: 96, 96>}, {pipeline_mode = #tpu.pipeline_mode<synchronous>, transform_indices = @transform_4, window_bounds = array<i64: 128, 96>}, {pipeline_mode = #tpu.pipeline_mode<synchronous>, transform_indices = @transform_5, window_bounds = array<i64: 128, 96>}, {pipeline_mode = #tpu.pipeline_mode<synchronous>, transform_indices = @transform_6, window_bounds = array<i64: 13, 96>}, {pipeline_mode = #tpu.pipeline_mode<synchronous>, transform_indices = @transform_7, window_bounds = array<i64: 1, 96>}, {pipeline_mode = #tpu.pipeline_mode<synchronous>, transform_indices = @transform_8, window_bounds = array<i64: 4, 96>}, {pipeline_mode = #tpu.pipeline_mode<synchronous>, transform_indices = @transform_9, window_bounds = array<i64: 4, 96>}, {pipeline_mode = #tpu.pipeline_mode<synchronous>, transform_indices = @transform_10, window_bounds = array<i64: 96, 8>}, {pipeline_mode = #tpu.pipeline_mode<synchronous>, transform_indices = @transform_11, window_bounds = array<i64: 8, 96>}, {transform_indices = @transform_12, window_bounds = array<i64: 1, 96, 8, 224>}]} {
    %get3A = arith.constant 0 : index
    %get3A_0 = arith.constant 0 : index
    %get3A_1 = vector.load %arg2[%get3A, %get3A_0] : memref<1792x96xf32, #tpu.memory_space<vmem>>, vector<1792x96xf32>
    %get3A_2 = arith.constant 0 : index
    %get3A_3 = arith.constant 0 : index
    %get3A_4 = vector.load %arg5[%get3A_2, %get3A_3] : memref<96x96xf32, #tpu.memory_space<vmem>>, vector<96x96xf32>
    %dot_general3A = arith.constant dense<0.000000e+00> : vector<1792x96xf32>
    %dot_general3A_5 = tpu.matmul %get3A_1, %get3A_4, %dot_general3A {dimension_numbers = #tpu.dot_dimension_numbers<[1], [0], [0], [1], [0, 0, 1, 1], [], []>, transpose_lhs_hint = false} : vector<1792x96xf32>, vector<96x96xf32>, vector<1792x96xf32> -> vector<1792x96xf32>
    %get3A_6 = arith.constant 0 : index
    %get3A_7 = arith.constant 0 : index
    %get3A_8 = arith.constant 0 : index
    %get3A_9 = vector.load %arg3[%get3A_6, %get3A_7, %get3A_8] : memref<1x1x1792xf32, #tpu.memory_space<vmem>>, vector<1x1x1792xf32>
    %get3A_10 = vector.shape_cast %get3A_9 : vector<1x1x1792xf32> to vector<1x1792xf32>
    %broadcast_in_dim3A = arith.constant 1.000000e+00 : f32
    %broadcast_in_dim3A_11 = vector.broadcast %broadcast_in_dim3A : f32 to vector<1x1792xf32>
    %mul3A = arith.mulf %get3A_10, %get3A_10 : vector<1x1792xf32>
    %mul3A_12 = arith.mulf %mul3A, %get3A_10 : vector<1x1792xf32>
    %mul3A_13 = arith.mulf %mul3A_12, %get3A_10 : vector<1x1792xf32>
    %mul3A_14 = arith.mulf %mul3A_13, %get3A_10 : vector<1x1792xf32>
    %mul3A_15 = arith.mulf %mul3A_14, %get3A_10 : vector<1x1792xf32>
    %mul3A_16 = arith.mulf %mul3A_15, %get3A_10 : vector<1x1792xf32>
    %mul3A_17 = arith.mulf %mul3A_16, %get3A_10 : vector<1x1792xf32>
    %mul3A_18 = arith.mulf %mul3A_17, %get3A_10 : vector<1x1792xf32>
    %mul3A_19 = arith.mulf %mul3A_18, %get3A_10 : vector<1x1792xf32>
    %mul3A_20 = arith.mulf %mul3A_19, %get3A_10 : vector<1x1792xf32>
    %mul3A_21 = arith.mulf %mul3A_20, %get3A_10 : vector<1x1792xf32>
    %concatenate3A = tpu.concatenate %broadcast_in_dim3A_11, %get3A_10, %mul3A, %mul3A_12, %mul3A_13, %mul3A_14, %mul3A_15, %mul3A_16, %mul3A_17, %mul3A_18, %mul3A_19, %mul3A_20, %mul3A_21 in 0 : vector<1x1792xf32>, vector<1x1792xf32>, vector<1x1792xf32>, vector<1x1792xf32>, vector<1x1792xf32>, vector<1x1792xf32>, vector<1x1792xf32>, vector<1x1792xf32>, vector<1x1792xf32>, vector<1x1792xf32>, vector<1x1792xf32>, vector<1x1792xf32>, vector<1x1792xf32> -> vector<13x1792xf32>
    %get3A_22 = arith.constant 0 : index
    %get3A_23 = arith.constant 0 : index
    %get3A_24 = vector.load %arg8[%get3A_22, %get3A_23] : memref<13x96xf32, #tpu.memory_space<vmem>>, vector<13x96xf32>
    %dot_general3A_25 = arith.constant dense<0.000000e+00> : vector<1792x96xf32>
    %dot_general3A_26 = tpu.matmul %concatenate3A, %get3A_24, %dot_general3A_25 {dimension_numbers = #tpu.dot_dimension_numbers<[0], [0], [1], [1], [0, 1, 1, 1], [], []>, transpose_lhs_hint = false} : vector<13x1792xf32>, vector<13x96xf32>, vector<1792x96xf32> -> vector<1792x96xf32>
    %add3A = arith.addf %dot_general3A_5, %dot_general3A_26 : vector<1792x96xf32>
    %get3A_27 = arith.constant 0 : index
    %get3A_28 = arith.constant 0 : index
    %get3A_29 = vector.load %arg9[%get3A_27, %get3A_28] : memref<1x96xf32, #tpu.memory_space<vmem>>, vector<1x96xf32>
    %add3A_30 = vector.broadcast %get3A_29 : vector<1x96xf32> to vector<1792x96xf32>
    %add3A_31 = arith.addf %add3A, %add3A_30 : vector<1792x96xf32>
    %mul3A_32 = arith.constant 0.288675129 : f32
    %mul3A_33 = vector.broadcast %mul3A_32 : f32 to vector<1792x96xf32>
    %mul3A_34 = arith.mulf %add3A_31, %mul3A_33 : vector<1792x96xf32>
    %get3A_35 = arith.constant 0 : index
    %get3A_36 = arith.constant 0 : index
    %get3A_37 = arith.constant 0 : index
    %get3A_38 = vector.load %arg4[%get3A_35, %get3A_36, %get3A_37] : memref<4x1792x128xf32, #tpu.memory_space<vmem>>, vector<4x1792x128xf32>
    %reshape3A = vector.shape_cast %get3A_38 : vector<4x1792x128xf32> to vector<7168x128xf32>
    %get3A_39 = arith.constant 0 : index
    %get3A_40 = arith.constant 0 : index
    %get3A_41 = vector.load %arg6[%get3A_39, %get3A_40] : memref<128x96xf32, #tpu.memory_space<vmem>>, vector<128x96xf32>
    %dot_general3A_42 = arith.constant dense<0.000000e+00> : vector<7168x96xf32>
    %dot_general3A_43 = tpu.matmul %reshape3A, %get3A_41, %dot_general3A_42 {dimension_numbers = #tpu.dot_dimension_numbers<[1], [0], [0], [1], [0, 0, 1, 1], [], []>, transpose_lhs_hint = false} : vector<7168x128xf32>, vector<128x96xf32>, vector<7168x96xf32> -> vector<7168x96xf32>
    %get3A_44 = arith.constant 0 : index
    %get3A_45 = arith.constant 0 : index
    %get3A_46 = vector.load %arg7[%get3A_44, %get3A_45] : memref<128x96xf32, #tpu.memory_space<vmem>>, vector<128x96xf32>
    %dot_general3A_47 = arith.constant dense<0.000000e+00> : vector<7168x96xf32>
    %dot_general3A_48 = tpu.matmul %reshape3A, %get3A_46, %dot_general3A_47 {dimension_numbers = #tpu.dot_dimension_numbers<[1], [0], [0], [1], [0, 0, 1, 1], [], []>, transpose_lhs_hint = false} : vector<7168x128xf32>, vector<128x96xf32>, vector<7168x96xf32> -> vector<7168x96xf32>
    %reshape3A_49 = vector.shape_cast %dot_general3A_43 : vector<7168x96xf32> to vector<4x1792x96xf32>
    %get3A_50 = arith.constant 0 : index
    %get3A_51 = arith.constant 0 : index
    %get3A_52 = vector.load %arg10[%get3A_50, %get3A_51] : memref<4x96xf32, #tpu.memory_space<vmem>>, vector<4x96xf32>
    %broadcast_in_dim3A_53 = vector.shape_cast %get3A_52 : vector<4x96xf32> to vector<4x1x96xf32>
    %add3A_54 = vector.broadcast %broadcast_in_dim3A_53 : vector<4x1x96xf32> to vector<4x1792x96xf32>
    %add3A_55 = arith.addf %reshape3A_49, %add3A_54 : vector<4x1792x96xf32>
    %broadcast_in_dim3A_56 = vector.shape_cast %mul3A_34 : vector<1792x96xf32> to vector<1x1792x96xf32>
    %mul3A_57 = vector.broadcast %broadcast_in_dim3A_56 : vector<1x1792x96xf32> to vector<4x1792x96xf32>
    %mul3A_58 = arith.mulf %add3A_55, %mul3A_57 : vector<4x1792x96xf32>
    %reshape3A_59 = vector.shape_cast %mul3A_58 : vector<4x1792x96xf32> to vector<7168x96xf32>
    %get3A_60 = arith.constant 0 : index
    %get3A_61 = arith.constant 0 : index
    %get3A_62 = vector.load %arg12[%get3A_60, %get3A_61] : memref<96x8xf32, #tpu.memory_space<vmem>>, vector<96x8xf32>
    %dot_general3A_63 = arith.constant dense<0.000000e+00> : vector<7168x8xf32>
    %dot_general3A_64 = tpu.matmul %reshape3A_59, %get3A_62, %dot_general3A_63 {dimension_numbers = #tpu.dot_dimension_numbers<[1], [0], [0], [1], [0, 0, 1, 1], [], []>, transpose_lhs_hint = false} : vector<7168x96xf32>, vector<96x8xf32>, vector<7168x8xf32> -> vector<7168x8xf32>
    %reshape3A_65 = vector.shape_cast %dot_general3A_64 : vector<7168x8xf32> to vector<4x1792x8xf32>
    %slice3A = vector.extract_strided_slice %reshape3A_65 {offsets = [0, 0, 0], sizes = [1, 1792, 8], strides = [1, 1, 1]} : vector<4x1792x8xf32> to vector<1x1792x8xf32>
    %squeeze3A = vector.shape_cast %slice3A : vector<1x1792x8xf32> to vector<1792x8xf32>
    %slice3A_66 = vector.extract_strided_slice %reshape3A_65 {offsets = [1, 0, 0], sizes = [1, 1792, 8], strides = [1, 1, 1]} : vector<4x1792x8xf32> to vector<1x1792x8xf32>
    %squeeze3A_67 = vector.shape_cast %slice3A_66 : vector<1x1792x8xf32> to vector<1792x8xf32>
    %max3A = arith.maximumf %squeeze3A, %squeeze3A_67 : vector<1792x8xf32>
    %slice3A_68 = vector.extract_strided_slice %reshape3A_65 {offsets = [2, 0, 0], sizes = [1, 1792, 8], strides = [1, 1, 1]} : vector<4x1792x8xf32> to vector<1x1792x8xf32>
    %squeeze3A_69 = vector.shape_cast %slice3A_68 : vector<1x1792x8xf32> to vector<1792x8xf32>
    %slice3A_70 = vector.extract_strided_slice %reshape3A_65 {offsets = [3, 0, 0], sizes = [1, 1792, 8], strides = [1, 1, 1]} : vector<4x1792x8xf32> to vector<1x1792x8xf32>
    %squeeze3A_71 = vector.shape_cast %slice3A_70 : vector<1x1792x8xf32> to vector<1792x8xf32>
    %max3A_72 = arith.maximumf %squeeze3A_69, %squeeze3A_71 : vector<1792x8xf32>
    %max3A_73 = arith.maximumf %max3A, %max3A_72 : vector<1792x8xf32>
    %broadcast_in_dim3A_74 = vector.shape_cast %max3A_73 : vector<1792x8xf32> to vector<1x1792x8xf32>
    %sub3A = vector.broadcast %broadcast_in_dim3A_74 : vector<1x1792x8xf32> to vector<4x1792x8xf32>
    %sub3A_75 = arith.subf %reshape3A_65, %sub3A : vector<4x1792x8xf32>
    %exp3A = math.exp %sub3A_75 : vector<4x1792x8xf32>
    %slice3A_76 = vector.extract_strided_slice %exp3A {offsets = [0, 0, 0], sizes = [1, 1792, 8], strides = [1, 1, 1]} : vector<4x1792x8xf32> to vector<1x1792x8xf32>
    %squeeze3A_77 = vector.shape_cast %slice3A_76 : vector<1x1792x8xf32> to vector<1792x8xf32>
    %slice3A_78 = vector.extract_strided_slice %exp3A {offsets = [1, 0, 0], sizes = [1, 1792, 8], strides = [1, 1, 1]} : vector<4x1792x8xf32> to vector<1x1792x8xf32>
    %squeeze3A_79 = vector.shape_cast %slice3A_78 : vector<1x1792x8xf32> to vector<1792x8xf32>
    %add3A_80 = arith.addf %squeeze3A_77, %squeeze3A_79 : vector<1792x8xf32>
    %slice3A_81 = vector.extract_strided_slice %exp3A {offsets = [2, 0, 0], sizes = [1, 1792, 8], strides = [1, 1, 1]} : vector<4x1792x8xf32> to vector<1x1792x8xf32>
    %squeeze3A_82 = vector.shape_cast %slice3A_81 : vector<1x1792x8xf32> to vector<1792x8xf32>
    %add3A_83 = arith.addf %add3A_80, %squeeze3A_82 : vector<1792x8xf32>
    %slice3A_84 = vector.extract_strided_slice %exp3A {offsets = [3, 0, 0], sizes = [1, 1792, 8], strides = [1, 1, 1]} : vector<4x1792x8xf32> to vector<1x1792x8xf32>
    %squeeze3A_85 = vector.shape_cast %slice3A_84 : vector<1x1792x8xf32> to vector<1792x8xf32>
    %add3A_86 = arith.addf %add3A_83, %squeeze3A_85 : vector<1792x8xf32>
    %broadcast_in_dim3A_87 = vector.shape_cast %add3A_86 : vector<1792x8xf32> to vector<1x1792x8xf32>
    %div3A = vector.broadcast %broadcast_in_dim3A_87 : vector<1x1792x8xf32> to vector<4x1792x8xf32>
    %div3A_88 = arith.divf %exp3A, %div3A : vector<4x1792x8xf32>
    %reshape3A_89 = vector.shape_cast %div3A_88 : vector<4x1792x8xf32> to vector<7168x8xf32>
    %get3A_90 = arith.constant 0 : index
    %get3A_91 = arith.constant 0 : index
    %get3A_92 = vector.load %arg13[%get3A_90, %get3A_91] : memref<8x96xf32, #tpu.memory_space<vmem>>, vector<8x96xf32>
    %dot_general3A_93 = arith.constant dense<0.000000e+00> : vector<7168x96xf32>
    %dot_general3A_94 = tpu.matmul %reshape3A_89, %get3A_92, %dot_general3A_93 {dimension_numbers = #tpu.dot_dimension_numbers<[1], [0], [0], [1], [0, 0, 1, 1], [], []>, transpose_lhs_hint = false} : vector<7168x8xf32>, vector<8x96xf32>, vector<7168x96xf32> -> vector<7168x96xf32>
    %reshape3A_95 = vector.shape_cast %dot_general3A_94 : vector<7168x96xf32> to vector<4x1792x96xf32>
    %reshape3A_96 = vector.shape_cast %dot_general3A_48 : vector<7168x96xf32> to vector<4x1792x96xf32>
    %get3A_97 = arith.constant 0 : index
    %get3A_98 = arith.constant 0 : index
    %get3A_99 = vector.load %arg11[%get3A_97, %get3A_98] : memref<4x96xf32, #tpu.memory_space<vmem>>, vector<4x96xf32>
    %broadcast_in_dim3A_100 = vector.shape_cast %get3A_99 : vector<4x96xf32> to vector<4x1x96xf32>
    %add3A_101 = vector.broadcast %broadcast_in_dim3A_100 : vector<4x1x96xf32> to vector<4x1792x96xf32>
    %add3A_102 = arith.addf %reshape3A_96, %add3A_101 : vector<4x1792x96xf32>
    %mul3A_103 = arith.mulf %reshape3A_95, %add3A_102 : vector<4x1792x96xf32>
    %slice3A_104 = vector.extract_strided_slice %mul3A_103 {offsets = [0, 0, 0], sizes = [1, 1792, 96], strides = [1, 1, 1]} : vector<4x1792x96xf32> to vector<1x1792x96xf32>
    %squeeze3A_105 = vector.shape_cast %slice3A_104 : vector<1x1792x96xf32> to vector<1792x96xf32>
    %slice3A_106 = vector.extract_strided_slice %mul3A_103 {offsets = [1, 0, 0], sizes = [1, 1792, 96], strides = [1, 1, 1]} : vector<4x1792x96xf32> to vector<1x1792x96xf32>
    %squeeze3A_107 = vector.shape_cast %slice3A_106 : vector<1x1792x96xf32> to vector<1792x96xf32>
    %add3A_108 = arith.addf %squeeze3A_105, %squeeze3A_107 : vector<1792x96xf32>
    %slice3A_109 = vector.extract_strided_slice %mul3A_103 {offsets = [2, 0, 0], sizes = [1, 1792, 96], strides = [1, 1, 1]} : vector<4x1792x96xf32> to vector<1x1792x96xf32>
    %squeeze3A_110 = vector.shape_cast %slice3A_109 : vector<1x1792x96xf32> to vector<1792x96xf32>
    %add3A_111 = arith.addf %add3A_108, %squeeze3A_110 : vector<1792x96xf32>
    %slice3A_112 = vector.extract_strided_slice %mul3A_103 {offsets = [3, 0, 0], sizes = [1, 1792, 96], strides = [1, 1, 1]} : vector<4x1792x96xf32> to vector<1x1792x96xf32>
    %squeeze3A_113 = vector.shape_cast %slice3A_112 : vector<1x1792x96xf32> to vector<1792x96xf32>
    %add3A_114 = arith.addf %add3A_111, %squeeze3A_113 : vector<1792x96xf32>
    %slice3A_115 = vector.extract_strided_slice %add3A_114 {offsets = [0, 0], sizes = [224, 96], strides = [1, 1]} : vector<1792x96xf32> to vector<224x96xf32>
    %transpose3A = tpu.transpose %slice3A_115, [1, 0] : vector<224x96xf32> -> vector<96x224xf32>
    %swap3A = arith.constant 0 : index
    %swap3A_116 = arith.constant 0 : index
    %swap3A_117 = arith.constant 0 : index
    %swap3A_118 = arith.constant 0 : index
    %swap3A_119 = vector.load %arg14[%swap3A, %swap3A_116, %swap3A_117, %swap3A_118] : memref<1x96x8x224xf32, #tpu.memory_space<vmem>>, vector<1x96x1x224xf32>
    %swap3A_120 = vector.shape_cast %swap3A_119 : vector<1x96x1x224xf32> to vector<96x224xf32>
    %swap3A_121 = vector.shape_cast %transpose3A : vector<96x224xf32> to vector<1x96x1x224xf32>
    tpu.vector_store %arg14[%swap3A, %swap3A_116, %swap3A_117, %swap3A_118], %swap3A_121 {strides = array<i32>} : memref<1x96x8x224xf32, #tpu.memory_space<vmem>>, vector<1x96x1x224xf32>,
    %slice3A_122 = vector.extract_strided_slice %add3A_114 {offsets = [224, 0], sizes = [224, 96], strides = [1, 1]} : vector<1792x96xf32> to vector<224x96xf32>
    %transpose3A_123 = tpu.transpose %slice3A_122, [1, 0] : vector<224x96xf32> -> vector<96x224xf32>
    %swap3A_124 = arith.constant 0 : index
    %swap3A_125 = arith.constant 0 : index
    %swap3A_126 = arith.constant 1 : index
    %swap3A_127 = arith.constant 0 : index
    %swap3A_128 = vector.load %arg14[%swap3A_124, %swap3A_125, %swap3A_126, %swap3A_127] : memref<1x96x8x224xf32, #tpu.memory_space<vmem>>, vector<1x96x1x224xf32>
    %swap3A_129 = vector.shape_cast %swap3A_128 : vector<1x96x1x224xf32> to vector<96x224xf32>
    %swap3A_130 = vector.shape_cast %transpose3A_123 : vector<96x224xf32> to vector<1x96x1x224xf32>
    tpu.vector_store %arg14[%swap3A_124, %swap3A_125, %swap3A_126, %swap3A_127], %swap3A_130 {strides = array<i32>} : memref<1x96x8x224xf32, #tpu.memory_space<vmem>>, vector<1x96x1x224xf32>,
    %slice3A_131 = vector.extract_strided_slice %add3A_114 {offsets = [448, 0], sizes = [224, 96], strides = [1, 1]} : vector<1792x96xf32> to vector<224x96xf32>
    %transpose3A_132 = tpu.transpose %slice3A_131, [1, 0] : vector<224x96xf32> -> vector<96x224xf32>
    %swap3A_133 = arith.constant 0 : index
    %swap3A_134 = arith.constant 0 : index
    %swap3A_135 = arith.constant 2 : index
    %swap3A_136 = arith.constant 0 : index
    %swap3A_137 = vector.load %arg14[%swap3A_133, %swap3A_134, %swap3A_135, %swap3A_136] : memref<1x96x8x224xf32, #tpu.memory_space<vmem>>, vector<1x96x1x224xf32>
    %swap3A_138 = vector.shape_cast %swap3A_137 : vector<1x96x1x224xf32> to vector<96x224xf32>
    %swap3A_139 = vector.shape_cast %transpose3A_132 : vector<96x224xf32> to vector<1x96x1x224xf32>
    tpu.vector_store %arg14[%swap3A_133, %swap3A_134, %swap3A_135, %swap3A_136], %swap3A_139 {strides = array<i32>} : memref<1x96x8x224xf32, #tpu.memory_space<vmem>>, vector<1x96x1x224xf32>,
    %slice3A_140 = vector.extract_strided_slice %add3A_114 {offsets = [672, 0], sizes = [224, 96], strides = [1, 1]} : vector<1792x96xf32> to vector<224x96xf32>
    %transpose3A_141 = tpu.transpose %slice3A_140, [1, 0] : vector<224x96xf32> -> vector<96x224xf32>
    %swap3A_142 = arith.constant 0 : index
    %swap3A_143 = arith.constant 0 : index
    %swap3A_144 = arith.constant 3 : index
    %swap3A_145 = arith.constant 0 : index
    %swap3A_146 = vector.load %arg14[%swap3A_142, %swap3A_143, %swap3A_144, %swap3A_145] : memref<1x96x8x224xf32, #tpu.memory_space<vmem>>, vector<1x96x1x224xf32>
    %swap3A_147 = vector.shape_cast %swap3A_146 : vector<1x96x1x224xf32> to vector<96x224xf32>
    %swap3A_148 = vector.shape_cast %transpose3A_141 : vector<96x224xf32> to vector<1x96x1x224xf32>
    tpu.vector_store %arg14[%swap3A_142, %swap3A_143, %swap3A_144, %swap3A_145], %swap3A_148 {strides = array<i32>} : memref<1x96x8x224xf32, #tpu.memory_space<vmem>>, vector<1x96x1x224xf32>,
    %slice3A_149 = vector.extract_strided_slice %add3A_114 {offsets = [896, 0], sizes = [224, 96], strides = [1, 1]} : vector<1792x96xf32> to vector<224x96xf32>
    %transpose3A_150 = tpu.transpose %slice3A_149, [1, 0] : vector<224x96xf32> -> vector<96x224xf32>
    %swap3A_151 = arith.constant 0 : index
    %swap3A_152 = arith.constant 0 : index
    %swap3A_153 = arith.constant 4 : index
    %swap3A_154 = arith.constant 0 : index
    %swap3A_155 = vector.load %arg14[%swap3A_151, %swap3A_152, %swap3A_153, %swap3A_154] : memref<1x96x8x224xf32, #tpu.memory_space<vmem>>, vector<1x96x1x224xf32>
    %swap3A_156 = vector.shape_cast %swap3A_155 : vector<1x96x1x224xf32> to vector<96x224xf32>
    %swap3A_157 = vector.shape_cast %transpose3A_150 : vector<96x224xf32> to vector<1x96x1x224xf32>
    tpu.vector_store %arg14[%swap3A_151, %swap3A_152, %swap3A_153, %swap3A_154], %swap3A_157 {strides = array<i32>} : memref<1x96x8x224xf32, #tpu.memory_space<vmem>>, vector<1x96x1x224xf32>,
    %slice3A_158 = vector.extract_strided_slice %add3A_114 {offsets = [1120, 0], sizes = [224, 96], strides = [1, 1]} : vector<1792x96xf32> to vector<224x96xf32>
    %transpose3A_159 = tpu.transpose %slice3A_158, [1, 0] : vector<224x96xf32> -> vector<96x224xf32>
    %swap3A_160 = arith.constant 0 : index
    %swap3A_161 = arith.constant 0 : index
    %swap3A_162 = arith.constant 5 : index
    %swap3A_163 = arith.constant 0 : index
    %swap3A_164 = vector.load %arg14[%swap3A_160, %swap3A_161, %swap3A_162, %swap3A_163] : memref<1x96x8x224xf32, #tpu.memory_space<vmem>>, vector<1x96x1x224xf32>
    %swap3A_165 = vector.shape_cast %swap3A_164 : vector<1x96x1x224xf32> to vector<96x224xf32>
    %swap3A_166 = vector.shape_cast %transpose3A_159 : vector<96x224xf32> to vector<1x96x1x224xf32>
    tpu.vector_store %arg14[%swap3A_160, %swap3A_161, %swap3A_162, %swap3A_163], %swap3A_166 {strides = array<i32>} : memref<1x96x8x224xf32, #tpu.memory_space<vmem>>, vector<1x96x1x224xf32>,
    %slice3A_167 = vector.extract_strided_slice %add3A_114 {offsets = [1344, 0], sizes = [224, 96], strides = [1, 1]} : vector<1792x96xf32> to vector<224x96xf32>
    %transpose3A_168 = tpu.transpose %slice3A_167, [1, 0] : vector<224x96xf32> -> vector<96x224xf32>
    %swap3A_169 = arith.constant 0 : index
    %swap3A_170 = arith.constant 0 : index
    %swap3A_171 = arith.constant 6 : index
    %swap3A_172 = arith.constant 0 : index
    %swap3A_173 = vector.load %arg14[%swap3A_169, %swap3A_170, %swap3A_171, %swap3A_172] : memref<1x96x8x224xf32, #tpu.memory_space<vmem>>, vector<1x96x1x224xf32>
    %swap3A_174 = vector.shape_cast %swap3A_173 : vector<1x96x1x224xf32> to vector<96x224xf32>
    %swap3A_175 = vector.shape_cast %transpose3A_168 : vector<96x224xf32> to vector<1x96x1x224xf32>
    tpu.vector_store %arg14[%swap3A_169, %swap3A_170, %swap3A_171, %swap3A_172], %swap3A_175 {strides = array<i32>} : memref<1x96x8x224xf32, #tpu.memory_space<vmem>>, vector<1x96x1x224xf32>,
    %slice3A_176 = vector.extract_strided_slice %add3A_114 {offsets = [1568, 0], sizes = [224, 96], strides = [1, 1]} : vector<1792x96xf32> to vector<224x96xf32>
    %transpose3A_177 = tpu.transpose %slice3A_176, [1, 0] : vector<224x96xf32> -> vector<96x224xf32>
    %swap3A_178 = arith.constant 0 : index
    %swap3A_179 = arith.constant 0 : index
    %swap3A_180 = arith.constant 7 : index
    %swap3A_181 = arith.constant 0 : index
    %swap3A_182 = vector.load %arg14[%swap3A_178, %swap3A_179, %swap3A_180, %swap3A_181] : memref<1x96x8x224xf32, #tpu.memory_space<vmem>>, vector<1x96x1x224xf32>
    %swap3A_183 = vector.shape_cast %swap3A_182 : vector<1x96x1x224xf32> to vector<96x224xf32>
    %swap3A_184 = vector.shape_cast %transpose3A_177 : vector<96x224xf32> to vector<1x96x1x224xf32>
    tpu.vector_store %arg14[%swap3A_178, %swap3A_179, %swap3A_180, %swap3A_181], %swap3A_184 {strides = array<i32>} : memref<1x96x8x224xf32, #tpu.memory_space<vmem>>, vector<1x96x1x224xf32>,
    return
  }
  func.func @transform_0(%arg0: i32, %arg1: i32) -> (i32, i32) {
    %mul3A = arith.constant 28 : i32
    %mul3A_0 = arith.muli %arg0, %mul3A : i32
    %add3A = arith.addi %mul3A_0, %arg1 : i32
    %c0_i32 = arith.constant 0 : i32
    %c0_i32_1 = arith.constant 0 : i32
    return %add3A, %c0_i32 : i32, i32
  }
  func.func @transform_1(%arg0: i32, %arg1: i32) -> (i32, i32, i32) {
    %mul3A = arith.constant 28 : i32
    %mul3A_0 = arith.muli %arg0, %mul3A : i32
    %add3A = arith.addi %mul3A_0, %arg1 : i32
    %c0_i32 = arith.constant 0 : i32
    %c0_i32_1 = arith.constant 0 : i32
    %c0_i32_2 = arith.constant 0 : i32
    return %add3A, %c0_i32, %c0_i32_1 : i32, i32, i32
  }
  func.func @transform_2(%arg0: i32, %arg1: i32) -> (i32, i32, i32) {
    %mul3A = arith.constant 28 : i32
    %mul3A_0 = arith.muli %arg0, %mul3A : i32
    %add3A = arith.addi %mul3A_0, %arg1 : i32
    %c0_i32 = arith.constant 0 : i32
    %c0_i32_1 = arith.constant 0 : i32
    %c0_i32_2 = arith.constant 0 : i32
    return %c0_i32, %add3A, %c0_i32_1 : i32, i32, i32
  }
  func.func @transform_3(%arg0: i32, %arg1: i32) -> (i32, i32) {
    %c0_i32 = arith.constant 0 : i32
    %c0_i32_0 = arith.constant 0 : i32
    %c0_i32_1 = arith.constant 0 : i32
    return %c0_i32, %c0_i32_0 : i32, i32
  }
  func.func @transform_4(%arg0: i32, %arg1: i32) -> (i32, i32) {
    %c0_i32 = arith.constant 0 : i32
    %c0_i32_0 = arith.constant 0 : i32
    %c0_i32_1 = arith.constant 0 : i32
    return %c0_i32, %c0_i32_0 : i32, i32
  }
  func.func @transform_5(%arg0: i32, %arg1: i32) -> (i32, i32) {
    %c0_i32 = arith.constant 0 : i32
    %c0_i32_0 = arith.constant 0 : i32
    %c0_i32_1 = arith.constant 0 : i32
    return %c0_i32, %c0_i32_0 : i32, i32
  }
  func.func @transform_6(%arg0: i32, %arg1: i32) -> (i32, i32) {
    %c0_i32 = arith.constant 0 : i32
    %c0_i32_0 = arith.constant 0 : i32
    %c0_i32_1 = arith.constant 0 : i32
    return %c0_i32, %c0_i32_0 : i32, i32
  }
  func.func @transform_7(%arg0: i32, %arg1: i32) -> (i32, i32) {
    %c0_i32 = arith.constant 0 : i32
    %c0_i32_0 = arith.constant 0 : i32
    %c0_i32_1 = arith.constant 0 : i32
    return %c0_i32, %c0_i32_0 : i32, i32
  }
  func.func @transform_8(%arg0: i32, %arg1: i32) -> (i32, i32) {
    %c0_i32 = arith.constant 0 : i32
    %c0_i32_0 = arith.constant 0 : i32
    %c0_i32_1 = arith.constant 0 : i32
    return %c0_i32, %c0_i32_0 : i32, i32
  }
  func.func @transform_9(%arg0: i32, %arg1: i32) -> (i32, i32) {
    %c0_i32 = arith.constant 0 : i32
    %c0_i32_0 = arith.constant 0 : i32
    %c0_i32_1 = arith.constant 0 : i32
    return %c0_i32, %c0_i32_0 : i32, i32
  }
  func.func @transform_10(%arg0: i32, %arg1: i32) -> (i32, i32) {
    %c0_i32 = arith.constant 0 : i32
    %c0_i32_0 = arith.constant 0 : i32
    %c0_i32_1 = arith.constant 0 : i32
    return %c0_i32, %c0_i32_0 : i32, i32
  }
  func.func @transform_11(%arg0: i32, %arg1: i32) -> (i32, i32) {
    %c0_i32 = arith.constant 0 : i32
    %c0_i32_0 = arith.constant 0 : i32
    %c0_i32_1 = arith.constant 0 : i32
    return %c0_i32, %c0_i32_0 : i32, i32
  }
  func.func @transform_12(%arg0: i32, %arg1: i32) -> (i32, i32, i32, i32) {
    %c0_i32 = arith.constant 0 : i32
    %c0_i32_0 = arith.constant 0 : i32
    %c0_i32_1 = arith.constant 0 : i32
    return %arg0, %c0_i32, %arg1, %c0_i32_0 : i32, i32, i32, i32
  }
}

</mosaic_0001>

<sc_bundles>
// kernel: kernel.5.cloned.1.call-start
scs
__scs_entry_jumppad:
0x0: {  	(pc) =	sbr.rel $0x88, $3  }
0x1: {  	(tag) =	ssettag $0x0;
	lr =	simm.s32 $0x1  }
0x2: {  	[smem:$0x3F97] =	sst lr;
	_ =	strace $0xD0000000  }
0x3: {  	_ = 	snop  }
0x4: {  	_ = 	snop  }
0x5: {  	_ = 	snop  }
0x6: {  	_ = 	snop  }
0x7: {  	_ = 	snop  }
__scs_overlays_trampoline_lowered:
0x8: {  	[smem:$0x3FA6] =	sst s0  }
0x9: {  	[smem:$0x3FA7] =	sst s1  }
0xa: {  	[smem:$0x3FA8] =	sst s2  }
0xb: {  	[smem:$0x3FA9] =	sst s3  }
0xc: {  	[smem:$0x3FAA] =	sst s4  }
0xd: {  	[smem:$0x3FAB] =	sst s5  }
0xe: {  	[smem:$0x3FAC] =	sst s6  }
0xf: {  	[smem:$0x3FAD] =	sst s7  }
0x10: {  	[smem:$0x3FAE] =	sst s8  }
0x11: {  	[smem:$0x3FAF] =	sst s9;
	s0 =	simm.s32 @!p0 $0x0  }
0x12: {  	s1 =	sld [smem:$0x3F95];
	s0 =	simm.s32 @p0 $0x1  }
0x13: {  	[smem:$0x3FB0] =	sst s0;
	s0 =	simm.s32 @!p1 $0x0  }
0x14: {  	s2 =	sld [smem:$0x3F94];
	s0 =	simm.s32 @p1 $0x1  }
0x15: {  	[smem:$0x3FB1] =	sst s0;
	s0 =	simm.s32 @!p2 $0x0  }
0x16: {  	s3 =	sld [smem:$0x3FDB];
	s0 =	simm.s32 @p2 $0x1  }
0x17: {  	s4 =	simm.s32 $0x1BF5;
	[smem:$0x3FB3] =	sst s0  }
0x18: {  	s0 =	sld [smem:$0x3F96];
	_ =	swait.ge [sflag:s4], $0x0  }
0x19: {  	s7 =	sld [smem:$0x3F97]  }
0x1a: {  	s8 =	sadd.s32 $0xFFFFE003, lr  }
0x1b: {  	s9 =	sadd.s32 $0xFFFFFEF7, lr;
	s5 =	simm.s32 $0xFFFFFFFF;
	p2 =	slt.u32 s8, $0xFFFFF086  }
0x1c: {  	p1 =	slt.u32 s9, $0xF7A;
	s5 =	simm.s32 @!p2 $0x0  }
0x1d: {  	s5 =	simm.s32 @p1 $0x1;
	p0 =	seq.s32 s7, s2  }
0x1e: {  	s7 =	smul.u32 @!p0 $0xF7A, s2;
	p2 =	seq.s32 @!p0 s5, $0x0  }
0x1f: {  	s9 =	smul.u32 $0xF7A, s1;
	s8 =	simm.s32 @!p0 $0x1BF5;
	p2 =	por !p2, p0  }
0x20: {  	[sflag:s8] =	ssyncset.s32 @!p0 $0xFFFFF086;
	s6 =	sadd.s32 @!p0 s3, s7;
	s7 =	simm.s32 @!p0 $0x108  }
0x21: {  	s3 =	sadd.s32 s3, s9;
	s6 =	sadd.s32 @!p0 $0x88, s6;
	s7 =	simm.s32 @p2 $0x1082  }
0x22: {  	[simem:s7], [sflag:s8] =	dma.local @!p0 [hbm:s6], $0xF7A  }
0x23: {  	s9 =	sor.u32 $0xD0000000, s2;
	s6 =	simm.s32 $0x108;
	_ =	swait.ge @!p0 [sflag:s8], $0x0  }
0x24: {  	s3 =	sadd.s32 $0x88, s3;
	s6 =	simm.s32 @!p1 $0x1082;
	[sflag:s4] =	ssyncset.s32 $0xFFFFF086  }
0x25: {  	[simem:s6], [sflag:s4] =	dma.local [hbm:s3], $0xF7A  }
0x26: {  	[smem:$0x3F97] =	sst s1;
	(tag) =	ssettag s2;
	_ =	strace s9  }
0x27: {  	s1 =	sld [smem:$0x3FA7]  }
0x28: {  	s2 =	sld [smem:$0x3FA8]  }
0x29: {  	s4 =	sld [smem:$0x3FAA]  }
0x2a: {  	p0 =	seq.s32 s5, $0x0;
	s5 =	sld [smem:$0x3FAB]  }
0x2b: {  	s6 =	sld [smem:$0x3FAC]  }
0x2c: {  	s7 =	sld [smem:$0x3FAD]  }
0x2d: {  	s3 =	simm.s32 $0x108;
	s8 =	sld [smem:$0x3FAE]  }
0x2e: {  	s3 =	simm.s32 @!p0 $0x1082;
	s9 =	sld [smem:$0x3FAF]  }
0x2f: {  	lr =	sadd.s32 s0, s3;
	s0 =	sld [smem:$0x3FA6]  }
0x30: {  	s3 =	sld [smem:$0x3FA9]  }
0x31: {  	[smem:$0x3FB2] =	sst s10  }
0x32: {  	s10 =	sld [smem:$0x3FB0];
	_ =	sdelay $0x3  }
0x33: {  	p0 =	seq.s32 s10, $0x1;
	s10 =	sld [smem:$0x3FB2];
	_ =	sdelay $0x3  }
0x34: {  	[smem:$0x3FB2] =	sst s10  }
0x35: {  	s10 =	sld [smem:$0x3FB1];
	_ =	sdelay $0x3  }
0x36: {  	p1 =	seq.s32 s10, $0x1;
	s10 =	sld [smem:$0x3FB2];
	_ =	sdelay $0x3  }
0x37: {  	[smem:$0x3FB2] =	sst s10  }
0x38: {  	s10 =	sld [smem:$0x3FB3]  }
0x39: {  	_ = 	snop;
	(pc) =	sbr.ind lr, $3  }
0x3a: {  	_ = 	snop  }
0x3b: {  	_ = 	snop  }
0x3c: {  	p2 =	seq.s32 s10, $0x1;
	s10 =	sld [smem:$0x3FB2]  }
0x3d: {  	_ =	shalt  }
0x3e: {  	_ =	shalt  }
0x3f: {  	_ =	shalt  }
0x40: {  	_ =	shalt  }
0x41: {  	_ =	shalt  }
0x42: {  	_ =	shalt  }
0x43: {  	_ =	shalt  }
0x44: {  	_ =	shalt  }
0x45: {  	_ =	shalt  }
0x46: {  	_ =	shalt  }
0x47: {  	_ =	shalt  }
0x48: {  	_ =	shalt  }
0x49: {  	_ =	shalt  }
0x4a: {  	_ =	shalt  }
0x4b: {  	_ =	shalt  }
0x4c: {  	_ =	shalt  }
0x4d: {  	_ =	shalt  }
0x4e: {  	_ =	shalt  }
0x4f: {  	_ =	shalt  }
0x50: {  	_ =	shalt  }
0x51: {  	_ =	shalt  }
0x52: {  	_ =	shalt  }
0x53: {  	_ =	shalt  }
0x54: {  	_ =	shalt  }
0x55: {  	_ =	shalt  }
0x56: {  	_ =	shalt  }
0x57: {  	_ =	shalt  }
0x58: {  	_ =	shalt  }
0x59: {  	_ =	shalt  }
0x5a: {  	_ =	shalt  }
0x5b: {  	_ =	shalt  }
0x5c: {  	_ =	shalt  }
0x5d: {  	_ =	shalt  }
0x5e: {  	_ =	shalt  }
0x5f: {  	_ =	shalt  }
0x60: {  	_ =	shalt  }
0x61: {  	_ =	shalt  }
0x62: {  	_ =	shalt  }
0x63: {  	_ =	shalt  }
0x64: {  	_ =	shalt  }
0x65: {  	_ =	shalt  }
0x66: {  	_ =	shalt  }
0x67: {  	_ =	shalt  }
0x68: {  	_ =	shalt  }
0x69: {  	_ =	shalt  }
0x6a: {  	_ =	shalt  }
0x6b: {  	_ =	shalt  }
0x6c: {  	_ =	shalt  }
0x6d: {  	_ =	shalt  }
0x6e: {  	_ =	shalt  }
0x6f: {  	_ =	shalt  }
0x70: {  	_ =	shalt  }
0x71: {  	_ =	shalt  }
0x72: {  	_ =	shalt  }
0x73: {  	_ =	shalt  }
0x74: {  	_ =	shalt  }
0x75: {  	_ =	shalt  }
0x76: {  	_ =	shalt  }
0x77: {  	_ =	shalt  }
0x78: {  	_ =	shalt  }
0x79: {  	_ =	shalt  }
0x7a: {  	_ =	shalt  }
0x7b: {  	_ =	shalt  }
0x7c: {  	_ =	shalt  }
0x7d: {  	_ =	shalt  }
0x7e: {  	_ =	shalt  }
0x7f: {  	_ =	shalt  }
0x80: {  	_ =	shalt  }
0x81: {  	_ =	shalt  }
0x82: {  	_ =	shalt  }
0x83: {  	_ =	shalt  }
0x84: {  	_ =	shalt  }
0x85: {  	_ =	shalt  }
0x86: {  	_ =	shalt  }
0x87: {  	_ =	shalt  }
.Lfunc_end0:
.L_simem_size_0:
called_computation_lowered:
.L_overlay_start_0:
0x88: {  	s2 =	sld [smem:$0x3FD9]  }
0x89: {  	s3 =	sld [smem:$0x3FFE];
	_ =	sdelay $0x1  }
0x8a: {  	s1 =	srdreg.scid  }
0x8b: {  	s0 =	sand.u32 $0x1, s1  }
0x8c: {  	s17 =	sshll.u32 s0, $0xA;
	s2 =	sadd.s32 s3, s2  }
0x8d: {  	s2 =	sadd.s32 s2, s17  }
0x8e: {  	[smem:$0x3FBE] =	sst s2  }
0x8f: {  	_ = 	snop  }
0x90: {  	s2 =	sld [smem:$0x3FD0];
	(tm) =	ssettm $0x1  }
0x91: {  	s18 =	sld [smem:$0x3FFB];
	_ =	sdelay $0x3  }
0x92: {  	_ =	strace s18  }
0x93: {  	s3 =	sld [smem:$0x3FFC];
	_ =	sdelay $0x3  }
0x94: {  	_ =	strace s3  }
0x95: {  	s3 =	sld [smem:$0x3FFD];
	_ =	sdelay $0x3  }
0x96: {  	_ =	strace s3  }
0x97: {  	_ =	strace $0x8FFFFFFF  }
0x98: {  	s19 =	sld [smem:$0x3FDB];
	_ =	sdelay $0x1  }
0x99: {  	s4 =	simm.s32 $_scs_section_size  }
0x9a: {  	s5 =	simm.s32 $_size__tile_overlayer_lowered;
	s6 =	simm.s32 $_tile_overlayer_lowered  }
0x9b: {  	s22 =	simm.s32 $0x1BFF;
	s21 =	sshll.u32 s6, $0x1;
	s3 =	sadd.s32 s4, s19  }
0x9c: {  	s7 =	simm.s32 $0x0;
	s20 =	sshll.u32 s5, $0x1;
	s5 =	sadd.s32 s21, s3  }
0x9d: {  	[timem:s7], [sflag:s22] =	dma.local [hbm:s5], s20  }
0x9e: {  	_ =	swait.ge [sflag:s22], s20  }
0x9f: {  	s4 =	ssub.s32 $0x0, s20;
	[sflag:s22] =	ssyncset.done $0x0  }
0xa0: {  	[sflag:s22] =	ssyncadd.s32 s4;
	_ =	sdelay $0x1  }
0xa1: {  	s23 =	simm.s32 $0x1B8B  }
0xa2: {  	_ =	swait.ge [sflag:s23], $0x1  }
0xa3: {  	[sflag:s23] =	ssyncset.done $0x0  }
0xa4: {  	s25 =	simm.s32 $0x1B8E;
	s24 =	sld [smem:$0x3FFE];
	[sflag:s23] =	ssyncadd.s32 $0xFFFFFFFF  }
0xa5: {  	s26 =	simm.s32 $execute0_lowered;
	[smem:$0x3FD2] =	sst s25  }
0xa6: {  	s5 =	sshll.u32 s26, $0x1;
	_ =	strace $0x80000046;
	[dreg:$0x1] =	wrdreg $0xFFFFFFFF  }
0xa7: {  	s28 =	simm.s32 $_size_execute0_lowered;
	s3 =	sadd.s32 s3, s5;
	[dreg:$0x0] =	wrdreg $0x0  }
0xa8: {  	s5 =	sshll.u32 s28, $0x1;
	[dreg:$0x2] =	wrdreg s3  }
0xa9: {  	[dreg:$0x3] =	wrdreg s5  }
0xaa: {  	[dreg:$0x4] =	wrdreg $0xC0  }
0xab: {  	_ =	task [dreg:s7], $0x5FFFF  }
0xac: {  	[dreg:$0x1] =	wrdreg $0xFFFFFFFF  }
0xad: {  	[dreg:$0x0] =	wrdreg $0x60  }
0xae: {  	[dreg:$0x2] =	wrdreg s24  }
0xaf: {  	[dreg:$0x3] =	wrdreg s2  }
0xb0: {  	[dreg:$0x4] =	wrdreg $0x9  }
0xb1: {  	_ =	task.clear_ibuf [dreg:s7], $0x5FFFF;
	_ =	strace $0x90000046  }
0xb2: {  	s29 =	simm.s32 $0x9;
	_ =	strace $0x80000048  }
0xb3: {  	_ =	swait.ge [sflag:s29], $0x1  }
0xb4: {  	[sflag:s29] =	ssyncadd.s32 $0xFFFFFFFF  }
0xb5: {  	_ =	strace $0x90000048  }
0xb6: {  	_ =	sfence  }
0xb7: {  	s30 =	sld [smem:$0x0];
	_ =	sdelay $0x2  }
0xb8: {  	s31 =	sshll.u32 s1, $0xD;
	s1 =	sshrl.u32 s1, $0x2  }
0xb9: {  	s3 =	sand.u32 $0x4000, s31;
	s1 =	sadd.s32 s1, s30  }
0xba: {  	s0 =	sor.u32 s3, s0;
	s1 =	sshll.u32 s1, $0x11  }
0xbb: {  	s0 =	sor.u32 s1, s0  }
0xbc: {  	s0 =	sadd.s32 $0x8F2B, s0  }
0xbd: {  	[sflag:s0] =	ssyncadd.remote.s32 $0x1  }
0xbe: {  	_ =	sfence.sel $0xFFFF  }
0xbf: {  	[dreg:$0x0] =	wrdreg $0xFFFFFFFF;
	(pc) =	sbr.abs _section_cstart, $3  }
0xc0: {  	[dreg:$0x1] =	wrdreg $0xFFFFFFFF  }
0xc1: {  	_ =	task.clear_ibuf [dreg:s7], $0x2FFFF;
	_ =	strace $0x9FFFFFFF  }
0xc2: {  	(tm) =	ssettm $0x7FFFFFFF  }
0xc3: {  	_ =	shalt  }
tec
execute0_lowered:
.L_overlay_start_1:
0x0: {  	(tag) =	ssettag $0x1  }
0x1: {  	s5 =	rddreg [dreg:$0x0];
	s1 =	srdreg.scid  }
0x2: {  	s0 =	stileid.u32;
	s2 =	rddreg [dreg:$0x1];
	s3 =	simm.s32 $0x0  }
0x3: {  	s16 =	simm.s32 $0x4100;
	s17 =	simm.s32 $0x1;
	s18 =	simm.s32 $0x2  }
0x4: {  	s19 =	simm.s32 $0x0;
	s8 =	sand.u32 $0x1, s1;
	s29 =	smul.u32 $0x6200, s0  }
0x5: {  	s4 =	sshll.u32 s0, $0x1;
	s1 =	rddreg [dreg:$0x2];
	s30 =	smul.u32 $0x62000, s0  }
0x6: {  	[smem:$0x7FF] =	sst s3;
	s12 =	sadd.s32 $0x315A00, s5;
	s14 =	smul.u32 $0x3100, s8  }
0x7: {  	s6 =	sor.u32 s8, s4;
	_ =	strace $0x80000047;
	s15 =	smul.u32 $0x31000, s8  }
0x8: {  	s4 =	sadd.s32 $0x2200, s5;
	s9 =	ssub.s32 $0x2, s8;
	s7 =	smul.u32 $0x3100, s6  }
0x9: {  	s10 =	sshrl.u32 s9, $0x1;
	s6 =	smul.u32 $0x188000, s6;
	s31 =	sadd.s32 s30, s12  }
0xa: {  	s9 =	ssub.s32 s9, s10;
	s14 =	sadd.s32 s14, s29;
	s11 =	sshrl.u32 s7, $0x3  }
0xb: {  	s28 =	sadd.s32 $0x3080, s7;
	s6 =	sshrl.u32 s6, $0x3;
	s9 =	smax.u32 s9, $0x1  }
0xc: {  	s5 =	sadd.s32 s2, s11;
	s7 =	sshrl.u32 s28, $0x3;
	s13 =	sadd.s32 s12, s6  }
0xd: {  	s10 =	sshll.u32 s28, $0x4;
	s11 =	sor.u32 $0x80, s14;
	s6 =	sadd.s32 s2, s7  }
0xe: {  	s7 =	sadd.s32 $0x30000, s13;
	s8 =	sadd.s32 s12, s10;
	s10 =	sadd.s32 s15, s31  }
0xf: {  	s11 =	sshrl.u32 s11, $0x3;
	s12 =	sadd.s32 $0x100, s14;
	s13 =	simm.s32 $0x3  }
0x10: {  	s14 =	simm.s32 $0x80;
	s15 =	simm.s32 $0x100;
	s11 =	sadd.s32 s11, s2  }
.LBB2_1:
0x11: {  	[tilespmem:s3], [sflag:$0x3] =	stream.linear.gather [hbm4b:s5+s3], $0x80, $0x38;
	[tilespmem:$0x8100] =	vst v63  }
0x12: {  	_ =	swait.ge [sflag:s13], $0x80  }
0x13: {  	[sflag:s13] =	ssyncset.done $0x0  }
0x14: {  	[sflag:s13] =	ssyncadd.s32 $0xFFFFFF80  }
0x15: {  	[tilespmem:s15], [sflag:$0x1] =	stream.indirect.gather [hbm4b:s4+s14], $0x80, s3, s14, $0xb8;
	[tilespmem:$0x8100] =	vst v63  }
0x16: {  	s20 =	sadd.s32 $0x0, s11  }
0x17: {  	[tilespmem:s14], [sflag:$0x3] =	stream.linear.gather [hbm4b:s20+s3], $0x80, $0x38;
	[tilespmem:$0x8100] =	vst v63  }
0x18: {  	_ =	swait.ge [sflag:s13], $0x80  }
0x19: {  	[sflag:s13] =	ssyncset.done $0x0  }
0x1a: {  	[sflag:s13] =	ssyncadd.s32 $0xFFFFFF80  }
0x1b: {  	[tilespmem:s16], [sflag:$0x2] =	stream.indirect.gather [hbm4b:s4+s14], $0x80, s14, s14, $0xb8;
	[tilespmem:$0x8100] =	vst v63  }
0x1c: {  	_ =	swait.ge [sflag:s17], $0x4000  }
0x1d: {  	[sflag:s17] =	ssyncset.done $0x0  }
0x1e: {  	[sflag:s17] =	ssyncadd.s32 $0xFFFFC000  }
0x1f: {  	[hbm4b:s10+s3] =	stream.linear.scatter [tilespmem:s15], [sflag:$0x3], $0x4000, $0x38;
	[tilespmem:$0x8100] =	vst v63  }
0x20: {  	_ =	swait.ge [sflag:s13], $0x4000  }
0x21: {  	s30 =	sshrl.u32 s12, $0x3;
	[sflag:s13] =	ssyncset.done $0x0  }
0x22: {  	s20 =	sadd.s32 s2, s30;
	[sflag:s13] =	ssyncadd.s32 $0xFFFFC000  }
0x23: {  	[tilespmem:s3], [sflag:$0x3] =	stream.linear.gather [hbm4b:s20+s3], $0x80, $0x38;
	[tilespmem:$0x8100] =	vst v63  }
0x24: {  	_ =	swait.ge [sflag:s13], $0x80  }
0x25: {  	[sflag:s13] =	ssyncset.done $0x0  }
0x26: {  	[sflag:s13] =	ssyncadd.s32 $0xFFFFFF80  }
0x27: {  	[tilespmem:s15], [sflag:$0x1] =	stream.indirect.gather [hbm4b:s4+s14], $0x80, s3, s14, $0xb8;
	[tilespmem:$0x8100] =	vst v63  }
0x28: {  	_ =	swait.ge [sflag:s18], $0x4000  }
0x29: {  	[sflag:s18] =	ssyncset.done $0x0  }
0x2a: {  	s31 =	sadd.s32 $0x800, s10;
	[sflag:s18] =	ssyncadd.s32 $0xFFFFC000  }
0x2b: {  	[hbm4b:s31+s3] =	stream.linear.scatter [tilespmem:s16], [sflag:$0x3], $0x4000, $0x38;
	[tilespmem:$0x8100] =	vst v63  }
0x2c: {  	s22 =	simm.s32 $0x20;
	s23 =	simm.s32 $0x40;
	_ =	swait.ge [sflag:s13], $0x4000  }
0x2d: {  	s21 =	sadd.s32 $0x100, s12;
	s20 =	sadd.s32 $0x1000, s10;
	[sflag:s13] =	ssyncset.done $0x0  }
.LBB2_2:
0x2e: {  	s24 =	sadd.s32 s22, s11  }
0x2f: {  	[sflag:s13] =	ssyncadd.s32 $0xFFFFC000;
	s22 =	smov.u32 s23;
	s25 =	sadd.s32 $0x20, s23  }
0x30: {  	[tilespmem:s14], [sflag:$0x3] =	stream.linear.gather [hbm4b:s24+s3], $0x80, $0x38;
	[tilespmem:$0x8100] =	vst v63  }
0x31: {  	p0 =	sne.s32 s23, $0x5E0;
	_ =	swait.ge [sflag:s13], $0x80  }
0x32: {  	[sflag:s13] =	ssyncset.done $0x0  }
0x33: {  	[sflag:s13] =	ssyncadd.s32 $0xFFFFFF80  }
0x34: {  	[tilespmem:s16], [sflag:$0x2] =	stream.indirect.gather [hbm4b:s4+s14], $0x80, s14, s14, $0xb8;
	[tilespmem:$0x8100] =	vst v63  }
0x35: {  	_ =	swait.ge [sflag:s17], $0x4000  }
0x36: {  	[sflag:s17] =	ssyncset.done $0x0  }
0x37: {  	[sflag:s17] =	ssyncadd.s32 $0xFFFFC000  }
0x38: {  	[hbm4b:s20+s3] =	stream.linear.scatter [tilespmem:s15], [sflag:$0x3], $0x4000, $0x38;
	[tilespmem:$0x8100] =	vst v63  }
0x39: {  	_ =	swait.ge [sflag:s13], $0x4000  }
0x3a: {  	s23 =	sshrl.u32 s21, $0x3;
	[sflag:s13] =	ssyncset.done $0x0  }
0x3b: {  	s23 =	sadd.s32 s2, s23;
	[sflag:s13] =	ssyncadd.s32 $0xFFFFC000  }
0x3c: {  	[tilespmem:s3], [sflag:$0x3] =	stream.linear.gather [hbm4b:s23+s3], $0x80, $0x38;
	[tilespmem:$0x8100] =	vst v63  }
0x3d: {  	_ =	swait.ge [sflag:s13], $0x80  }
0x3e: {  	[sflag:s13] =	ssyncset.done $0x0  }
0x3f: {  	[sflag:s13] =	ssyncadd.s32 $0xFFFFFF80  }
0x40: {  	[tilespmem:s15], [sflag:$0x1] =	stream.indirect.gather [hbm4b:s4+s14], $0x80, s3, s14, $0xb8;
	[tilespmem:$0x8100] =	vst v63  }
0x41: {  	_ =	swait.ge [sflag:s18], $0x4000  }
.Ltmp0:
0x42: {  	[sflag:s18] =	ssyncset.done $0x0;
	(pc) =	sbr.rel @p0 .LBB2_2-.Ltmp0, $4  }
0x43: {  	s23 =	sadd.s32 $0x800, s20;
	[sflag:s18] =	ssyncadd.s32 $0xFFFFC000  }
0x44: {  	[hbm4b:s23+s3] =	stream.linear.scatter [tilespmem:s16], [sflag:$0x3], $0x4000, $0x38;
	[tilespmem:$0x8100] =	vst v63  }
0x45: {  	s21 =	sadd.s32 $0x100, s21;
	_ =	swait.ge [sflag:s13], $0x4000  }
0x46: {  	s20 =	sadd.s32 $0x1000, s20;
	s23 =	smov.u32 s25;
	[sflag:s13] =	ssyncset.done $0x0  }
0x47: {  	s22 =	sadd.s32 s22, s11;
	[sflag:s13] =	ssyncadd.s32 $0xFFFFC000  }
0x48: {  	[tilespmem:s14], [sflag:$0x3] =	stream.linear.gather [hbm4b:s22+s3], $0x80, $0x38;
	[tilespmem:$0x8100] =	vst v63  }
0x49: {  	_ =	swait.ge [sflag:s13], $0x80  }
0x4a: {  	[sflag:s13] =	ssyncset.done $0x0  }
0x4b: {  	[sflag:s13] =	ssyncadd.s32 $0xFFFFFF80  }
0x4c: {  	[tilespmem:s16], [sflag:$0x2] =	stream.indirect.gather [hbm4b:s4+s14], $0x80, s14, s14, $0xb8;
	[tilespmem:$0x8100] =	vst v63  }
0x4d: {  	_ =	swait.ge [sflag:s17], $0x4000  }
0x4e: {  	[sflag:s17] =	ssyncset.done $0x0  }
0x4f: {  	[sflag:s17] =	ssyncadd.s32 $0xFFFFC000  }
0x50: {  	[hbm4b:s20+s3] =	stream.linear.scatter [tilespmem:s15], [sflag:$0x3], $0x4000, $0x38;
	[tilespmem:$0x8100] =	vst v63  }
0x51: {  	_ =	swait.ge [sflag:s13], $0x4000  }
0x52: {  	s21 =	sshrl.u32 s21, $0x3;
	[sflag:s13] =	ssyncset.done $0x0  }
0x53: {  	s21 =	sadd.s32 s2, s21;
	[sflag:s13] =	ssyncadd.s32 $0xFFFFC000  }
0x54: {  	[tilespmem:s3], [sflag:$0x3] =	stream.linear.gather [hbm4b:s21+s3], $0x80, $0x38;
	[tilespmem:$0x8100] =	vst v63  }
0x55: {  	_ =	swait.ge [sflag:s13], $0x80  }
0x56: {  	[sflag:s13] =	ssyncset.done $0x0  }
0x57: {  	[sflag:s13] =	ssyncadd.s32 $0xFFFFFF80  }
0x58: {  	[tilespmem:s15], [sflag:$0x1] =	stream.indirect.gather [hbm4b:s4+s14], $0x80, s3, s14, $0xb8;
	[tilespmem:$0x8100] =	vst v63  }
0x59: {  	_ =	swait.ge [sflag:s18], $0x4000  }
0x5a: {  	[sflag:s18] =	ssyncset.done $0x0  }
0x5b: {  	s31 =	sadd.s32 $0x800, s20;
	[sflag:s18] =	ssyncadd.s32 $0xFFFFC000  }
0x5c: {  	[hbm4b:s31+s3] =	stream.linear.scatter [tilespmem:s16], [sflag:$0x3], $0x4000, $0x38;
	[tilespmem:$0x8100] =	vst v63  }
0x5d: {  	_ =	swait.ge [sflag:s13], $0x4000  }
0x5e: {  	[sflag:s13] =	ssyncset.done $0x0  }
0x5f: {  	[sflag:s13] =	ssyncadd.s32 $0xFFFFC000  }
0x60: {  	[tilespmem:s14], [sflag:$0x3] =	stream.linear.gather [hbm4b:s6+s3], $0x80, $0x38;
	[tilespmem:$0x8100] =	vst v63  }
0x61: {  	_ =	swait.ge [sflag:s13], $0x80  }
0x62: {  	[sflag:s13] =	ssyncset.done $0x0  }
0x63: {  	[sflag:s13] =	ssyncadd.s32 $0xFFFFFF80  }
0x64: {  	[tilespmem:s16], [sflag:$0x2] =	stream.indirect.gather [hbm4b:s4+s14], $0x80, s14, s14, $0xb8;
	[tilespmem:$0x8100] =	vst v63  }
0x65: {  	_ =	swait.ge [sflag:s17], $0x4000  }
0x66: {  	[sflag:s17] =	ssyncset.done $0x0  }
0x67: {  	[sflag:s17] =	ssyncadd.s32 $0xFFFFC000  }
0x68: {  	[hbm4b:s7+s3] =	stream.linear.scatter [tilespmem:s15], [sflag:$0x3], $0x4000, $0x38;
	[tilespmem:$0x8100] =	vst v63  }
0x69: {  	_ =	swait.ge [sflag:s13], $0x4000  }
0x6a: {  	[sflag:s13] =	ssyncset.done $0x0  }
0x6b: {  	[sflag:s13] =	ssyncadd.s32 $0xFFFFC000  }
0x6c: {  	s19 =	sadd.s32 $0x1, s19;
	_ =	swait.ge [sflag:s18], $0x4000  }
0x6d: {  	p0 =	sne.s32 s19, s9;
	[sflag:s18] =	ssyncset.done $0x0  }
.Ltmp1:
0x6e: {  	[sflag:s18] =	ssyncadd.s32 $0xFFFFC000;
	(pc) =	sbr.rel @p0 .LBB2_1-.Ltmp1, $4  }
0x6f: {  	[hbm4b:s8+s3] =	stream.linear.scatter [tilespmem:s16], [sflag:$0x3], $0x4000, $0x38;
	[tilespmem:$0x8100] =	vst v63  }
0x70: {  	_ =	swait.ge [sflag:s13], $0x4000  }
0x71: {  	[sflag:s13] =	ssyncset.done $0x0  }
0x72: {  	[sflag:s13] =	ssyncadd.s32 $0xFFFFC000  }
0x73: {  	_ =	sfence.sel $0x180000  }
0x74: {  	[bflag:$0x0] =	sbarrier.arrive $0xFFFF  }
0x75: {  	p0 =	sne.s32 s0, $0x0;
	_ =	strace $0x90000047  }
0x76: {  	s0 =	sadd.s32 @!p0 $0x100000, s1;
	[bflag:$0x2] =	sbarrier.arrive $0xFFFF  }
0x77: {  	[sflag:s0] =	ssyncadd.tile.s32 @!p0 $0x1;
	_ =	shalt  }
.Lfunc_end2:
_tile_overlayer_lowered:
.L_overlay_start_2:
0x78: {  	(tag) =	ssettag $0x2  }
0x79: {  	s0 =	rddreg [dreg:$0x0];
	s2 =	stileid.u32  }
0x7a: {  	s1 =	rddreg [dreg:$0x1];
	p0 =	sne.s32 s2, $0x0  }
0x7b: {  	s3 =	rddreg [dreg:$0x2];
	[bflag:$0x3] =	sbarrier.arrive $0xFFFF;
	s2 =	simm.s32 @!p0 $0x1C03  }
0x7c: {  	[timem:s3], [sflag:s2] =	dma.local @!p0 [hbm:s0], s1  }
0x7d: {  	s0 =	simm.s32 @!p0 $0x3  }
0x7e: {  	_ =	swait.ge @!p0 [sflag:s0], s1  }
0x7f: {  	s1 =	ssub.s32 @!p0 $0x0, s1;
	[sflag:s0] =	ssyncset.done @!p0 $0x0  }
0x80: {  	[sflag:s0] =	ssyncadd.s32 @!p0 s1  }
0x81: {  	[bflag:$0x3] =	sbarrier.arrive $0xFFFF  }
0x82: {  	_ =	shalt  }

</sc_bundles>
